<compile_context>
chip_gen: v7x
topology: tpu7x:2x2x1
jax: 0.10.2.dev20260603
libtpu: 0.0.44.dev20260713+nightly
codegen_flags: <defaults>
</compile_context>

<pallas_src>
import functools

import jax
import jax.numpy as jnp
from jax import lax
from jax.experimental import pallas as pl
from jax.experimental.pallas import tpu as pltpu
from jax.experimental.pallas import tpu_sc as plsc

N = 1000000
FEATURES = 16
BATCH = 16384
ROW = FEATURES * 3
NC, NS, L = 2, 16, 16
NW = NC * NS
BPW = BATCH // NW
ICHUNK = 128
NCHUNK = BPW // ICHUNK


def _sc_body(scale_hbm, bias_hbm, idx_hbm, sh_hbm, out_hbm,
             idx_v, s_v, b_v, sh_v, sem_g, sem_l):
    wid = lax.axis_index("s") * NC + lax.axis_index("c")
    base = wid * BPW

    pltpu.sync_copy(idx_hbm.at[wid], idx_v)

    sh_cp = pltpu.make_async_copy(sh_hbm.at[pl.ds(base, BPW)], sh_v, sem_l)
    sh_cp.start()
    copies = []
    for j in range(NCHUNK):
        dst = pl.ds(j * ICHUNK, ICHUNK)
        cs = pltpu.make_async_copy(scale_hbm.at[idx_v.at[j]], s_v.at[dst], sem_g)
        cb = pltpu.make_async_copy(bias_hbm.at[idx_v.at[j]], b_v.at[dst], sem_g)
        cs.start()
        cb.start()
        copies.append(cs)
        copies.append(cb)
    sh_cp.wait()
    for c in copies:
        c.wait()

    def fma_row(r, carry):
        for c in range(ROW // L):
            cols = pl.ds(c * L, L)
            sh_v[r, cols] = sh_v[r, cols] * s_v[r, cols] + b_v[r, cols]
        return carry

    lax.fori_loop(0, BPW, fma_row, 0, unroll=4)

    pltpu.sync_copy(sh_v, out_hbm.at[pl.ds(base, BPW)])


@jax.jit
def kernel(idx, sh, scale, bias):
    scale2 = scale.reshape(N, ROW)
    bias2 = bias.reshape(N, ROW)
    sh2 = sh.reshape(BATCH, ROW)
    idx3 = idx.reshape(NW, NCHUNK, ICHUNK)
    mesh = plsc.VectorSubcoreMesh(core_axis_name="c", subcore_axis_name="s")
    run = functools.partial(
        pl.kernel,
        mesh=mesh,
        compiler_params=pltpu.CompilerParams(use_tc_tiling_on_sc=False),
        out_type=jax.ShapeDtypeStruct((BATCH, ROW), jnp.float32),
        scratch_types=[
            pltpu.VMEM((NCHUNK, ICHUNK), jnp.int32),
            pltpu.VMEM((BPW, ROW), jnp.float32),
            pltpu.VMEM((BPW, ROW), jnp.float32),
            pltpu.VMEM((BPW, ROW), jnp.float32),
            pltpu.SemaphoreType.DMA,
            pltpu.SemaphoreType.DMA,
        ],
    )(_sc_body)
    out = run(scale2, bias2, idx3, sh2)
    return out.reshape(BATCH, FEATURES, 3)

# --- scband reference (transcript-rebuilt; emitter-appended) ---
"""Pipeline reference for scband-modify-sh-8435315770089 (READ-ONLY COPY).

The authoritative reference and input builder live on the scoring server;
editing this copy changes nothing except your own understanding.
"""

import jax, jax.numpy as jnp
import numpy as np

N = 1000000
FEATURES = 16  # (max_sh_degree + 1) ** 2 with max_sh_degree = 3
BATCH = 16384


def setup_inputs(seed: int = 0) -> dict:
    key = jax.random.key(seed)
    k_idx, k_sh = jax.random.split(key, 2)
    idx = jax.random.randint(k_idx, (BATCH,), 0, N, dtype=jnp.int64 if jax.config.jax_enable_x64 else jnp.int32).astype(jnp.int32)
    sh = jax.random.normal(k_sh, (BATCH, FEATURES, 3), dtype=jnp.float32)
    # Learned parameters, initialized exactly like the torch module
    scale = jnp.ones((N, FEATURES, 3), dtype=jnp.float32)
    bias = jnp.zeros((N, FEATURES, 3), dtype=jnp.float32)
    return {"idx": idx, "sh": sh, "scale": scale, "bias": bias}


def reference(idx, sh, scale, bias):
    # sh = sh * self.scale[idx] + self.bias[idx]
    s = jnp.take(scale, idx, axis=0)
    b = jnp.take(bias, idx, axis=0)
    return sh * s + b

if __name__ == "__main__":
    import jax
    _d = setup_inputs()
    print(jax.jit(kernel)(*tuple(_d.values())))

</pallas_src>

<mosaic_0001>
#map = affine_map<(d0, d1) -> (0, 0)>
#map1 = affine_map<(d0, d1) -> (0, 0, 0)>
module attributes {stable_mosaic.version = 14 : i64} {
  func.func @_sc_body(%arg0: i32, %arg1: i32, %arg2: memref<1000000x48xf32, #tpu.memory_space<hbm>>, %arg3: memref<1000000x48xf32, #tpu.memory_space<hbm>>, %arg4: memref<32x4x128xi32, #tpu.memory_space<hbm>>, %arg5: memref<16384x48xf32, #tpu.memory_space<hbm>>, %arg6: memref<16384x48xf32, #tpu.memory_space<hbm>>, %arg7: memref<4x128xi32, #tpu.memory_space<vmem>>, %arg8: memref<512x48xf32, #tpu.memory_space<vmem>>, %arg9: memref<512x48xf32, #tpu.memory_space<vmem>>, %arg10: memref<512x48xf32, #tpu.memory_space<vmem>>, %arg11: memref<!tpu.dma_semaphore, #tpu.memory_space<semaphore_mem>>, %arg12: memref<!tpu.dma_semaphore, #tpu.memory_space<semaphore_mem>>) attributes {dimension_semantics = [#tpu.dimension_semantics<core_parallel>, #tpu.dimension_semantics<subcore_parallel>], iteration_bounds = array<i64: 2, 16>, scalar_prefetch = 0 : i64, scratch_operands = 6 : i64, tpu.core_type = #tpu.core_type<sc_vector_subcore>, window_params = [{transform_indices = #map}, {transform_indices = #map}, {transform_indices = #map1}, {transform_indices = #map}, {transform_indices = #map}]} {
    %mul3A = arith.constant 2 : i32
    %mul3A_0 = arith.muli %arg1, %mul3A : i32
    %add3A = arith.addi %mul3A_0, %arg0 : i32
    %mul3A_1 = arith.constant 512 : i32
    %mul3A_2 = arith.muli %add3A, %mul3A_1 : i32
    "tpu.region"() ({
      %run_scoped3A = tpu.sem_alloc : memref<!tpu.dma_semaphore, #tpu.memory_space<semaphore_mem>>
      %dma_start3A_174 = arith.constant 0 : i32
      %dma_start3A_175 = arith.constant 0 : i32
      %dma_start3A_176 = tpu.memref_slice %arg4[%add3A, %dma_start3A_174, %dma_start3A_175] : memref<32x4x128xi32, #tpu.memory_space<hbm>> -> memref<1x4x128xi32, #tpu.memory_space<hbm>>
      %dma_start3A_177 = tpu.memref_squeeze %dma_start3A_176 : memref<1x4x128xi32, #tpu.memory_space<hbm>> -> memref<4x128xi32, #tpu.memory_space<hbm>>
      %dma_start3A_178 = arith.constant 0 : i32
      %dma_start3A_179 = arith.constant 0 : i32
      %dma_start3A_180 = tpu.memref_slice %arg4[%add3A, %dma_start3A_178, %dma_start3A_179] : memref<32x4x128xi32, #tpu.memory_space<hbm>> -> memref<1x4x128xi32, #tpu.memory_space<hbm>>
      %dma_start3A_181 = tpu.memref_squeeze %dma_start3A_180 : memref<1x4x128xi32, #tpu.memory_space<hbm>> -> memref<4x128xi32, #tpu.memory_space<hbm>>
      tpu.enqueue_dma source(%dma_start3A_181 : memref<4x128xi32, #tpu.memory_space<hbm>>) target(%arg7 : memref<4x128xi32, #tpu.memory_space<vmem>>) target_semaphore(%run_scoped3A : memref<!tpu.dma_semaphore, #tpu.memory_space<semaphore_mem>>)
      %dma_wait3A_182 = arith.constant 0 : i32
      %dma_wait3A_183 = arith.constant 0 : i32
      %dma_wait3A_184 = tpu.memref_slice %arg4[%add3A, %dma_wait3A_182, %dma_wait3A_183] : memref<32x4x128xi32, #tpu.memory_space<hbm>> -> memref<1x4x128xi32, #tpu.memory_space<hbm>>
      %dma_wait3A_185 = tpu.memref_squeeze %dma_wait3A_184 : memref<1x4x128xi32, #tpu.memory_space<hbm>> -> memref<4x128xi32, #tpu.memory_space<hbm>>
      %dma_wait3A_186 = arith.constant 0 : i32
      %dma_wait3A_187 = arith.constant 0 : i32
      %dma_wait3A_188 = tpu.memref_slice %arg4[%add3A, %dma_wait3A_186, %dma_wait3A_187] : memref<32x4x128xi32, #tpu.memory_space<hbm>> -> memref<1x4x128xi32, #tpu.memory_space<hbm>>
      %dma_wait3A_189 = tpu.memref_squeeze %dma_wait3A_188 : memref<1x4x128xi32, #tpu.memory_space<hbm>> -> memref<4x128xi32, #tpu.memory_space<hbm>>
      tpu.wait_dma2 semaphore(%run_scoped3A : memref<!tpu.dma_semaphore, #tpu.memory_space<semaphore_mem>>) src(%dma_wait3A_189 : memref<4x128xi32, #tpu.memory_space<hbm>>) dst(%arg7 : memref<4x128xi32, #tpu.memory_space<vmem>>)
      tpu.yield
    }) : () -> ()
    %dma_start3A = arith.constant 0 : i32
    %dma_start3A_3 = tpu.memref_slice %arg5[%mul3A_2, %dma_start3A] : memref<16384x48xf32, #tpu.memory_space<hbm>> -> memref<512x48xf32, #tpu.memory_space<hbm>>
    %dma_start3A_4 = arith.constant 0 : i32
    %dma_start3A_5 = tpu.memref_slice %arg5[%mul3A_2, %dma_start3A_4] : memref<16384x48xf32, #tpu.memory_space<hbm>> -> memref<512x48xf32, #tpu.memory_space<hbm>>
    tpu.enqueue_dma source(%dma_start3A_5 : memref<512x48xf32, #tpu.memory_space<hbm>>) target(%arg10 : memref<512x48xf32, #tpu.memory_space<vmem>>) target_semaphore(%arg12 : memref<!tpu.dma_semaphore, #tpu.memory_space<semaphore_mem>>)
    %dma_start3A_6 = arith.constant 0 : i32
    %dma_start3A_7 = arith.constant 0 : i32
    %dma_start3A_8 = arith.constant 0 : i32
    %dma_start3A_9 = tpu.memref_slice %arg8[%dma_start3A_7, %dma_start3A_8] : memref<512x48xf32, #tpu.memory_space<vmem>> -> memref<128x48xf32, #tpu.memory_space<vmem>>
    %dma_start3A_10 = arith.constant 0 : i32
    %dma_start3A_11 = tpu.memref_slice %arg7[%dma_start3A_6, %dma_start3A_10] : memref<4x128xi32, #tpu.memory_space<vmem>> -> memref<1x128xi32, #tpu.memory_space<vmem>>
    %dma_start3A_12 = tpu.memref_squeeze %dma_start3A_11 : memref<1x128xi32, #tpu.memory_space<vmem>> -> memref<128xi32, #tpu.memory_space<vmem>>
    %dma_start3A_13 = arith.constant 0 : i32
    %dma_start3A_14 = arith.constant 0 : i32
    %dma_start3A_15 = tpu.memref_slice %arg2[%dma_start3A_13, %dma_start3A_14] : memref<1000000x48xf32, #tpu.memory_space<hbm>> -> memref<1000000x48xf32, #tpu.memory_space<hbm>>
    tpu.enqueue_indirect_dma source(%dma_start3A_15 : memref<1000000x48xf32, #tpu.memory_space<hbm>>) target(%dma_start3A_9 : memref<128x48xf32, #tpu.memory_space<vmem>>) offsets(%dma_start3A_12 : memref<128xi32, #tpu.memory_space<vmem>>) semaphore(%arg11 : memref<!tpu.dma_semaphore, #tpu.memory_space<semaphore_mem>>)
    %dma_start3A_16 = arith.constant 0 : i32
    %dma_start3A_17 = arith.constant 0 : i32
    %dma_start3A_18 = arith.constant 0 : i32
    %dma_start3A_19 = tpu.memref_slice %arg9[%dma_start3A_17, %dma_start3A_18] : memref<512x48xf32, #tpu.memory_space<vmem>> -> memref<128x48xf32, #tpu.memory_space<vmem>>
    %dma_start3A_20 = arith.constant 0 : i32
    %dma_start3A_21 = tpu.memref_slice %arg7[%dma_start3A_16, %dma_start3A_20] : memref<4x128xi32, #tpu.memory_space<vmem>> -> memref<1x128xi32, #tpu.memory_space<vmem>>
    %dma_start3A_22 = tpu.memref_squeeze %dma_start3A_21 : memref<1x128xi32, #tpu.memory_space<vmem>> -> memref<128xi32, #tpu.memory_space<vmem>>
    %dma_start3A_23 = arith.constant 0 : i32
    %dma_start3A_24 = arith.constant 0 : i32
    %dma_start3A_25 = tpu.memref_slice %arg3[%dma_start3A_23, %dma_start3A_24] : memref<1000000x48xf32, #tpu.memory_space<hbm>> -> memref<1000000x48xf32, #tpu.memory_space<hbm>>
    tpu.enqueue_indirect_dma source(%dma_start3A_25 : memref<1000000x48xf32, #tpu.memory_space<hbm>>) target(%dma_start3A_19 : memref<128x48xf32, #tpu.memory_space<vmem>>) offsets(%dma_start3A_22 : memref<128xi32, #tpu.memory_space<vmem>>) semaphore(%arg11 : memref<!tpu.dma_semaphore, #tpu.memory_space<semaphore_mem>>)
    %dma_start3A_26 = arith.constant 1 : i32
    %dma_start3A_27 = arith.constant 128 : i32
    %dma_start3A_28 = arith.constant 0 : i32
    %dma_start3A_29 = tpu.memref_slice %arg8[%dma_start3A_27, %dma_start3A_28] : memref<512x48xf32, #tpu.memory_space<vmem>> -> memref<128x48xf32, #tpu.memory_space<vmem>>
    %dma_start3A_30 = arith.constant 0 : i32
    %dma_start3A_31 = tpu.memref_slice %arg7[%dma_start3A_26, %dma_start3A_30] : memref<4x128xi32, #tpu.memory_space<vmem>> -> memref<1x128xi32, #tpu.memory_space<vmem>>
    %dma_start3A_32 = tpu.memref_squeeze %dma_start3A_31 : memref<1x128xi32, #tpu.memory_space<vmem>> -> memref<128xi32, #tpu.memory_space<vmem>>
    %dma_start3A_33 = arith.constant 0 : i32
    %dma_start3A_34 = arith.constant 0 : i32
    %dma_start3A_35 = tpu.memref_slice %arg2[%dma_start3A_33, %dma_start3A_34] : memref<1000000x48xf32, #tpu.memory_space<hbm>> -> memref<1000000x48xf32, #tpu.memory_space<hbm>>
    tpu.enqueue_indirect_dma source(%dma_start3A_35 : memref<1000000x48xf32, #tpu.memory_space<hbm>>) target(%dma_start3A_29 : memref<128x48xf32, #tpu.memory_space<vmem>>) offsets(%dma_start3A_32 : memref<128xi32, #tpu.memory_space<vmem>>) semaphore(%arg11 : memref<!tpu.dma_semaphore, #tpu.memory_space<semaphore_mem>>)
    %dma_start3A_36 = arith.constant 1 : i32
    %dma_start3A_37 = arith.constant 128 : i32
    %dma_start3A_38 = arith.constant 0 : i32
    %dma_start3A_39 = tpu.memref_slice %arg9[%dma_start3A_37, %dma_start3A_38] : memref<512x48xf32, #tpu.memory_space<vmem>> -> memref<128x48xf32, #tpu.memory_space<vmem>>
    %dma_start3A_40 = arith.constant 0 : i32
    %dma_start3A_41 = tpu.memref_slice %arg7[%dma_start3A_36, %dma_start3A_40] : memref<4x128xi32, #tpu.memory_space<vmem>> -> memref<1x128xi32, #tpu.memory_space<vmem>>
    %dma_start3A_42 = tpu.memref_squeeze %dma_start3A_41 : memref<1x128xi32, #tpu.memory_space<vmem>> -> memref<128xi32, #tpu.memory_space<vmem>>
    %dma_start3A_43 = arith.constant 0 : i32
    %dma_start3A_44 = arith.constant 0 : i32
    %dma_start3A_45 = tpu.memref_slice %arg3[%dma_start3A_43, %dma_start3A_44] : memref<1000000x48xf32, #tpu.memory_space<hbm>> -> memref<1000000x48xf32, #tpu.memory_space<hbm>>
    tpu.enqueue_indirect_dma source(%dma_start3A_45 : memref<1000000x48xf32, #tpu.memory_space<hbm>>) target(%dma_start3A_39 : memref<128x48xf32, #tpu.memory_space<vmem>>) offsets(%dma_start3A_42 : memref<128xi32, #tpu.memory_space<vmem>>) semaphore(%arg11 : memref<!tpu.dma_semaphore, #tpu.memory_space<semaphore_mem>>)
    %dma_start3A_46 = arith.constant 2 : i32
    %dma_start3A_47 = arith.constant 256 : i32
    %dma_start3A_48 = arith.constant 0 : i32
    %dma_start3A_49 = tpu.memref_slice %arg8[%dma_start3A_47, %dma_start3A_48] : memref<512x48xf32, #tpu.memory_space<vmem>> -> memref<128x48xf32, #tpu.memory_space<vmem>>
    %dma_start3A_50 = arith.constant 0 : i32
    %dma_start3A_51 = tpu.memref_slice %arg7[%dma_start3A_46, %dma_start3A_50] : memref<4x128xi32, #tpu.memory_space<vmem>> -> memref<1x128xi32, #tpu.memory_space<vmem>>
    %dma_start3A_52 = tpu.memref_squeeze %dma_start3A_51 : memref<1x128xi32, #tpu.memory_space<vmem>> -> memref<128xi32, #tpu.memory_space<vmem>>
    %dma_start3A_53 = arith.constant 0 : i32
    %dma_start3A_54 = arith.constant 0 : i32
    %dma_start3A_55 = tpu.memref_slice %arg2[%dma_start3A_53, %dma_start3A_54] : memref<1000000x48xf32, #tpu.memory_space<hbm>> -> memref<1000000x48xf32, #tpu.memory_space<hbm>>
    tpu.enqueue_indirect_dma source(%dma_start3A_55 : memref<1000000x48xf32, #tpu.memory_space<hbm>>) target(%dma_start3A_49 : memref<128x48xf32, #tpu.memory_space<vmem>>) offsets(%dma_start3A_52 : memref<128xi32, #tpu.memory_space<vmem>>) semaphore(%arg11 : memref<!tpu.dma_semaphore, #tpu.memory_space<semaphore_mem>>)
    %dma_start3A_56 = arith.constant 2 : i32
    %dma_start3A_57 = arith.constant 256 : i32
    %dma_start3A_58 = arith.constant 0 : i32
    %dma_start3A_59 = tpu.memref_slice %arg9[%dma_start3A_57, %dma_start3A_58] : memref<512x48xf32, #tpu.memory_space<vmem>> -> memref<128x48xf32, #tpu.memory_space<vmem>>
    %dma_start3A_60 = arith.constant 0 : i32
    %dma_start3A_61 = tpu.memref_slice %arg7[%dma_start3A_56, %dma_start3A_60] : memref<4x128xi32, #tpu.memory_space<vmem>> -> memref<1x128xi32, #tpu.memory_space<vmem>>
    %dma_start3A_62 = tpu.memref_squeeze %dma_start3A_61 : memref<1x128xi32, #tpu.memory_space<vmem>> -> memref<128xi32, #tpu.memory_space<vmem>>
    %dma_start3A_63 = arith.constant 0 : i32
    %dma_start3A_64 = arith.constant 0 : i32
    %dma_start3A_65 = tpu.memref_slice %arg3[%dma_start3A_63, %dma_start3A_64] : memref<1000000x48xf32, #tpu.memory_space<hbm>> -> memref<1000000x48xf32, #tpu.memory_space<hbm>>
    tpu.enqueue_indirect_dma source(%dma_start3A_65 : memref<1000000x48xf32, #tpu.memory_space<hbm>>) target(%dma_start3A_59 : memref<128x48xf32, #tpu.memory_space<vmem>>) offsets(%dma_start3A_62 : memref<128xi32, #tpu.memory_space<vmem>>) semaphore(%arg11 : memref<!tpu.dma_semaphore, #tpu.memory_space<semaphore_mem>>)
    %dma_start3A_66 = arith.constant 3 : i32
    %dma_start3A_67 = arith.constant 384 : i32
    %dma_start3A_68 = arith.constant 0 : i32
    %dma_start3A_69 = tpu.memref_slice %arg8[%dma_start3A_67, %dma_start3A_68] : memref<512x48xf32, #tpu.memory_space<vmem>> -> memref<128x48xf32, #tpu.memory_space<vmem>>
    %dma_start3A_70 = arith.constant 0 : i32
    %dma_start3A_71 = tpu.memref_slice %arg7[%dma_start3A_66, %dma_start3A_70] : memref<4x128xi32, #tpu.memory_space<vmem>> -> memref<1x128xi32, #tpu.memory_space<vmem>>
    %dma_start3A_72 = tpu.memref_squeeze %dma_start3A_71 : memref<1x128xi32, #tpu.memory_space<vmem>> -> memref<128xi32, #tpu.memory_space<vmem>>
    %dma_start3A_73 = arith.constant 0 : i32
    %dma_start3A_74 = arith.constant 0 : i32
    %dma_start3A_75 = tpu.memref_slice %arg2[%dma_start3A_73, %dma_start3A_74] : memref<1000000x48xf32, #tpu.memory_space<hbm>> -> memref<1000000x48xf32, #tpu.memory_space<hbm>>
    tpu.enqueue_indirect_dma source(%dma_start3A_75 : memref<1000000x48xf32, #tpu.memory_space<hbm>>) target(%dma_start3A_69 : memref<128x48xf32, #tpu.memory_space<vmem>>) offsets(%dma_start3A_72 : memref<128xi32, #tpu.memory_space<vmem>>) semaphore(%arg11 : memref<!tpu.dma_semaphore, #tpu.memory_space<semaphore_mem>>)
    %dma_start3A_76 = arith.constant 3 : i32
    %dma_start3A_77 = arith.constant 384 : i32
    %dma_start3A_78 = arith.constant 0 : i32
    %dma_start3A_79 = tpu.memref_slice %arg9[%dma_start3A_77, %dma_start3A_78] : memref<512x48xf32, #tpu.memory_space<vmem>> -> memref<128x48xf32, #tpu.memory_space<vmem>>
    %dma_start3A_80 = arith.constant 0 : i32
    %dma_start3A_81 = tpu.memref_slice %arg7[%dma_start3A_76, %dma_start3A_80] : memref<4x128xi32, #tpu.memory_space<vmem>> -> memref<1x128xi32, #tpu.memory_space<vmem>>
    %dma_start3A_82 = tpu.memref_squeeze %dma_start3A_81 : memref<1x128xi32, #tpu.memory_space<vmem>> -> memref<128xi32, #tpu.memory_space<vmem>>
    %dma_start3A_83 = arith.constant 0 : i32
    %dma_start3A_84 = arith.constant 0 : i32
    %dma_start3A_85 = tpu.memref_slice %arg3[%dma_start3A_83, %dma_start3A_84] : memref<1000000x48xf32, #tpu.memory_space<hbm>> -> memref<1000000x48xf32, #tpu.memory_space<hbm>>
    tpu.enqueue_indirect_dma source(%dma_start3A_85 : memref<1000000x48xf32, #tpu.memory_space<hbm>>) target(%dma_start3A_79 : memref<128x48xf32, #tpu.memory_space<vmem>>) offsets(%dma_start3A_82 : memref<128xi32, #tpu.memory_space<vmem>>) semaphore(%arg11 : memref<!tpu.dma_semaphore, #tpu.memory_space<semaphore_mem>>)
    %dma_wait3A = arith.constant 0 : i32
    %dma_wait3A_86 = tpu.memref_slice %arg5[%mul3A_2, %dma_wait3A] : memref<16384x48xf32, #tpu.memory_space<hbm>> -> memref<512x48xf32, #tpu.memory_space<hbm>>
    %dma_wait3A_87 = arith.constant 0 : i32
    %dma_wait3A_88 = tpu.memref_slice %arg5[%mul3A_2, %dma_wait3A_87] : memref<16384x48xf32, #tpu.memory_space<hbm>> -> memref<512x48xf32, #tpu.memory_space<hbm>>
    tpu.wait_dma2 semaphore(%arg12 : memref<!tpu.dma_semaphore, #tpu.memory_space<semaphore_mem>>) src(%dma_wait3A_88 : memref<512x48xf32, #tpu.memory_space<hbm>>) dst(%arg10 : memref<512x48xf32, #tpu.memory_space<vmem>>)
    %dma_wait3A_89 = arith.constant 0 : i32
    %dma_wait3A_90 = arith.constant 0 : i32
    %dma_wait3A_91 = arith.constant 0 : i32
    %dma_wait3A_92 = tpu.memref_slice %arg8[%dma_wait3A_90, %dma_wait3A_91] : memref<512x48xf32, #tpu.memory_space<vmem>> -> memref<128x48xf32, #tpu.memory_space<vmem>>
    %dma_wait3A_93 = arith.constant 0 : i32
    %dma_wait3A_94 = tpu.memref_slice %arg7[%dma_wait3A_89, %dma_wait3A_93] : memref<4x128xi32, #tpu.memory_space<vmem>> -> memref<1x128xi32, #tpu.memory_space<vmem>>
    %dma_wait3A_95 = tpu.memref_squeeze %dma_wait3A_94 : memref<1x128xi32, #tpu.memory_space<vmem>> -> memref<128xi32, #tpu.memory_space<vmem>>
    %dma_wait3A_96 = arith.constant 0 : i32
    %dma_wait3A_97 = arith.constant 0 : i32
    %dma_wait3A_98 = tpu.memref_slice %arg2[%dma_wait3A_96, %dma_wait3A_97] : memref<1000000x48xf32, #tpu.memory_space<hbm>> -> memref<1000000x48xf32, #tpu.memory_space<hbm>>
    tpu.wait_indirect_dma semaphore(%arg11 : memref<!tpu.dma_semaphore, #tpu.memory_space<semaphore_mem>>) src(%dma_wait3A_98 : memref<1000000x48xf32, #tpu.memory_space<hbm>>) dst(%dma_wait3A_92 : memref<128x48xf32, #tpu.memory_space<vmem>>)
    %dma_wait3A_99 = arith.constant 0 : i32
    %dma_wait3A_100 = arith.constant 0 : i32
    %dma_wait3A_101 = arith.constant 0 : i32
    %dma_wait3A_102 = tpu.memref_slice %arg9[%dma_wait3A_100, %dma_wait3A_101] : memref<512x48xf32, #tpu.memory_space<vmem>> -> memref<128x48xf32, #tpu.memory_space<vmem>>
    %dma_wait3A_103 = arith.constant 0 : i32
    %dma_wait3A_104 = tpu.memref_slice %arg7[%dma_wait3A_99, %dma_wait3A_103] : memref<4x128xi32, #tpu.memory_space<vmem>> -> memref<1x128xi32, #tpu.memory_space<vmem>>
    %dma_wait3A_105 = tpu.memref_squeeze %dma_wait3A_104 : memref<1x128xi32, #tpu.memory_space<vmem>> -> memref<128xi32, #tpu.memory_space<vmem>>
    %dma_wait3A_106 = arith.constant 0 : i32
    %dma_wait3A_107 = arith.constant 0 : i32
    %dma_wait3A_108 = tpu.memref_slice %arg3[%dma_wait3A_106, %dma_wait3A_107] : memref<1000000x48xf32, #tpu.memory_space<hbm>> -> memref<1000000x48xf32, #tpu.memory_space<hbm>>
    tpu.wait_indirect_dma semaphore(%arg11 : memref<!tpu.dma_semaphore, #tpu.memory_space<semaphore_mem>>) src(%dma_wait3A_108 : memref<1000000x48xf32, #tpu.memory_space<hbm>>) dst(%dma_wait3A_102 : memref<128x48xf32, #tpu.memory_space<vmem>>)
    %dma_wait3A_109 = arith.constant 1 : i32
    %dma_wait3A_110 = arith.constant 128 : i32
    %dma_wait3A_111 = arith.constant 0 : i32
    %dma_wait3A_112 = tpu.memref_slice %arg8[%dma_wait3A_110, %dma_wait3A_111] : memref<512x48xf32, #tpu.memory_space<vmem>> -> memref<128x48xf32, #tpu.memory_space<vmem>>
    %dma_wait3A_113 = arith.constant 0 : i32
    %dma_wait3A_114 = tpu.memref_slice %arg7[%dma_wait3A_109, %dma_wait3A_113] : memref<4x128xi32, #tpu.memory_space<vmem>> -> memref<1x128xi32, #tpu.memory_space<vmem>>
    %dma_wait3A_115 = tpu.memref_squeeze %dma_wait3A_114 : memref<1x128xi32, #tpu.memory_space<vmem>> -> memref<128xi32, #tpu.memory_space<vmem>>
    %dma_wait3A_116 = arith.constant 0 : i32
    %dma_wait3A_117 = arith.constant 0 : i32
    %dma_wait3A_118 = tpu.memref_slice %arg2[%dma_wait3A_116, %dma_wait3A_117] : memref<1000000x48xf32, #tpu.memory_space<hbm>> -> memref<1000000x48xf32, #tpu.memory_space<hbm>>
    tpu.wait_indirect_dma semaphore(%arg11 : memref<!tpu.dma_semaphore, #tpu.memory_space<semaphore_mem>>) src(%dma_wait3A_118 : memref<1000000x48xf32, #tpu.memory_space<hbm>>) dst(%dma_wait3A_112 : memref<128x48xf32, #tpu.memory_space<vmem>>)
    %dma_wait3A_119 = arith.constant 1 : i32
    %dma_wait3A_120 = arith.constant 128 : i32
    %dma_wait3A_121 = arith.constant 0 : i32
    %dma_wait3A_122 = tpu.memref_slice %arg9[%dma_wait3A_120, %dma_wait3A_121] : memref<512x48xf32, #tpu.memory_space<vmem>> -> memref<128x48xf32, #tpu.memory_space<vmem>>
    %dma_wait3A_123 = arith.constant 0 : i32
    %dma_wait3A_124 = tpu.memref_slice %arg7[%dma_wait3A_119, %dma_wait3A_123] : memref<4x128xi32, #tpu.memory_space<vmem>> -> memref<1x128xi32, #tpu.memory_space<vmem>>
    %dma_wait3A_125 = tpu.memref_squeeze %dma_wait3A_124 : memref<1x128xi32, #tpu.memory_space<vmem>> -> memref<128xi32, #tpu.memory_space<vmem>>
    %dma_wait3A_126 = arith.constant 0 : i32
    %dma_wait3A_127 = arith.constant 0 : i32
    %dma_wait3A_128 = tpu.memref_slice %arg3[%dma_wait3A_126, %dma_wait3A_127] : memref<1000000x48xf32, #tpu.memory_space<hbm>> -> memref<1000000x48xf32, #tpu.memory_space<hbm>>
    tpu.wait_indirect_dma semaphore(%arg11 : memref<!tpu.dma_semaphore, #tpu.memory_space<semaphore_mem>>) src(%dma_wait3A_128 : memref<1000000x48xf32, #tpu.memory_space<hbm>>) dst(%dma_wait3A_122 : memref<128x48xf32, #tpu.memory_space<vmem>>)
    %dma_wait3A_129 = arith.constant 2 : i32
    %dma_wait3A_130 = arith.constant 256 : i32
    %dma_wait3A_131 = arith.constant 0 : i32
    %dma_wait3A_132 = tpu.memref_slice %arg8[%dma_wait3A_130, %dma_wait3A_131] : memref<512x48xf32, #tpu.memory_space<vmem>> -> memref<128x48xf32, #tpu.memory_space<vmem>>
    %dma_wait3A_133 = arith.constant 0 : i32
    %dma_wait3A_134 = tpu.memref_slice %arg7[%dma_wait3A_129, %dma_wait3A_133] : memref<4x128xi32, #tpu.memory_space<vmem>> -> memref<1x128xi32, #tpu.memory_space<vmem>>
    %dma_wait3A_135 = tpu.memref_squeeze %dma_wait3A_134 : memref<1x128xi32, #tpu.memory_space<vmem>> -> memref<128xi32, #tpu.memory_space<vmem>>
    %dma_wait3A_136 = arith.constant 0 : i32
    %dma_wait3A_137 = arith.constant 0 : i32
    %dma_wait3A_138 = tpu.memref_slice %arg2[%dma_wait3A_136, %dma_wait3A_137] : memref<1000000x48xf32, #tpu.memory_space<hbm>> -> memref<1000000x48xf32, #tpu.memory_space<hbm>>
    tpu.wait_indirect_dma semaphore(%arg11 : memref<!tpu.dma_semaphore, #tpu.memory_space<semaphore_mem>>) src(%dma_wait3A_138 : memref<1000000x48xf32, #tpu.memory_space<hbm>>) dst(%dma_wait3A_132 : memref<128x48xf32, #tpu.memory_space<vmem>>)
    %dma_wait3A_139 = arith.constant 2 : i32
    %dma_wait3A_140 = arith.constant 256 : i32
    %dma_wait3A_141 = arith.constant 0 : i32
    %dma_wait3A_142 = tpu.memref_slice %arg9[%dma_wait3A_140, %dma_wait3A_141] : memref<512x48xf32, #tpu.memory_space<vmem>> -> memref<128x48xf32, #tpu.memory_space<vmem>>
    %dma_wait3A_143 = arith.constant 0 : i32
    %dma_wait3A_144 = tpu.memref_slice %arg7[%dma_wait3A_139, %dma_wait3A_143] : memref<4x128xi32, #tpu.memory_space<vmem>> -> memref<1x128xi32, #tpu.memory_space<vmem>>
    %dma_wait3A_145 = tpu.memref_squeeze %dma_wait3A_144 : memref<1x128xi32, #tpu.memory_space<vmem>> -> memref<128xi32, #tpu.memory_space<vmem>>
    %dma_wait3A_146 = arith.constant 0 : i32
    %dma_wait3A_147 = arith.constant 0 : i32
    %dma_wait3A_148 = tpu.memref_slice %arg3[%dma_wait3A_146, %dma_wait3A_147] : memref<1000000x48xf32, #tpu.memory_space<hbm>> -> memref<1000000x48xf32, #tpu.memory_space<hbm>>
    tpu.wait_indirect_dma semaphore(%arg11 : memref<!tpu.dma_semaphore, #tpu.memory_space<semaphore_mem>>) src(%dma_wait3A_148 : memref<1000000x48xf32, #tpu.memory_space<hbm>>) dst(%dma_wait3A_142 : memref<128x48xf32, #tpu.memory_space<vmem>>)
    %dma_wait3A_149 = arith.constant 3 : i32
    %dma_wait3A_150 = arith.constant 384 : i32
    %dma_wait3A_151 = arith.constant 0 : i32
    %dma_wait3A_152 = tpu.memref_slice %arg8[%dma_wait3A_150, %dma_wait3A_151] : memref<512x48xf32, #tpu.memory_space<vmem>> -> memref<128x48xf32, #tpu.memory_space<vmem>>
    %dma_wait3A_153 = arith.constant 0 : i32
    %dma_wait3A_154 = tpu.memref_slice %arg7[%dma_wait3A_149, %dma_wait3A_153] : memref<4x128xi32, #tpu.memory_space<vmem>> -> memref<1x128xi32, #tpu.memory_space<vmem>>
    %dma_wait3A_155 = tpu.memref_squeeze %dma_wait3A_154 : memref<1x128xi32, #tpu.memory_space<vmem>> -> memref<128xi32, #tpu.memory_space<vmem>>
    %dma_wait3A_156 = arith.constant 0 : i32
    %dma_wait3A_157 = arith.constant 0 : i32
    %dma_wait3A_158 = tpu.memref_slice %arg2[%dma_wait3A_156, %dma_wait3A_157] : memref<1000000x48xf32, #tpu.memory_space<hbm>> -> memref<1000000x48xf32, #tpu.memory_space<hbm>>
    tpu.wait_indirect_dma semaphore(%arg11 : memref<!tpu.dma_semaphore, #tpu.memory_space<semaphore_mem>>) src(%dma_wait3A_158 : memref<1000000x48xf32, #tpu.memory_space<hbm>>) dst(%dma_wait3A_152 : memref<128x48xf32, #tpu.memory_space<vmem>>)
    %dma_wait3A_159 = arith.constant 3 : i32
    %dma_wait3A_160 = arith.constant 384 : i32
    %dma_wait3A_161 = arith.constant 0 : i32
    %dma_wait3A_162 = tpu.memref_slice %arg9[%dma_wait3A_160, %dma_wait3A_161] : memref<512x48xf32, #tpu.memory_space<vmem>> -> memref<128x48xf32, #tpu.memory_space<vmem>>
    %dma_wait3A_163 = arith.constant 0 : i32
    %dma_wait3A_164 = tpu.memref_slice %arg7[%dma_wait3A_159, %dma_wait3A_163] : memref<4x128xi32, #tpu.memory_space<vmem>> -> memref<1x128xi32, #tpu.memory_space<vmem>>
    %dma_wait3A_165 = tpu.memref_squeeze %dma_wait3A_164 : memref<1x128xi32, #tpu.memory_space<vmem>> -> memref<128xi32, #tpu.memory_space<vmem>>
    %dma_wait3A_166 = arith.constant 0 : i32
    %dma_wait3A_167 = arith.constant 0 : i32
    %dma_wait3A_168 = tpu.memref_slice %arg3[%dma_wait3A_166, %dma_wait3A_167] : memref<1000000x48xf32, #tpu.memory_space<hbm>> -> memref<1000000x48xf32, #tpu.memory_space<hbm>>
    tpu.wait_indirect_dma semaphore(%arg11 : memref<!tpu.dma_semaphore, #tpu.memory_space<semaphore_mem>>) src(%dma_wait3A_168 : memref<1000000x48xf32, #tpu.memory_space<hbm>>) dst(%dma_wait3A_162 : memref<128x48xf32, #tpu.memory_space<vmem>>)
    %scan3A = arith.constant 0 : i32
    %scan3A_169 = arith.constant 0 : i32
    %scan3A_170 = arith.constant 512 : i32
    %scan3A_171 = arith.addi %scan3A_169, %scan3A_170 : i32
    %scan3A_172 = arith.constant 4 : i32
    scf.for %scan3A_174 = %scan3A_169 to %scan3A_171 step %scan3A_172  : i32 {
      %get3A = arith.index_cast %scan3A_174 : i32 to index
      %get3A_175 = arith.constant 0 : index
      %get3A_176 = tpu.vector_load %arg10[%get3A, %get3A_175] {strides = array<i32>} : memref<512x48xf32, #tpu.memory_space<vmem>>, vector<1x16xf32>,
      %get3A_177 = vector.shape_cast %get3A_176 : vector<1x16xf32> to vector<16xf32>
      %get3A_178 = arith.index_cast %scan3A_174 : i32 to index
      %get3A_179 = arith.constant 0 : index
      %get3A_180 = tpu.vector_load %arg8[%get3A_178, %get3A_179] {strides = array<i32>} : memref<512x48xf32, #tpu.memory_space<vmem>>, vector<1x16xf32>,
      %get3A_181 = vector.shape_cast %get3A_180 : vector<1x16xf32> to vector<16xf32>
      %mul3A_182 = arith.mulf %get3A_177, %get3A_181 : vector<16xf32>
      %get3A_183 = arith.index_cast %scan3A_174 : i32 to index
      %get3A_184 = arith.constant 0 : index
      %get3A_185 = tpu.vector_load %arg9[%get3A_183, %get3A_184] {strides = array<i32>} : memref<512x48xf32, #tpu.memory_space<vmem>>, vector<1x16xf32>,
      %get3A_186 = vector.shape_cast %get3A_185 : vector<1x16xf32> to vector<16xf32>
      %add3A_187 = arith.addf %mul3A_182, %get3A_186 : vector<16xf32>
      %swap3A = arith.index_cast %scan3A_174 : i32 to index
      %swap3A_188 = arith.constant 0 : index
      %swap3A_189 = tpu.vector_load %arg10[%swap3A, %swap3A_188] {strides = array<i32>} : memref<512x48xf32, #tpu.memory_space<vmem>>, vector<1x16xf32>,
      %swap3A_190 = vector.shape_cast %swap3A_189 : vector<1x16xf32> to vector<16xf32>
      %swap3A_191 = vector.shape_cast %add3A_187 : vector<16xf32> to vector<1x16xf32>
      tpu.vector_store %arg10[%swap3A, %swap3A_188], %swap3A_191 {strides = array<i32>} : memref<512x48xf32, #tpu.memory_space<vmem>>, vector<1x16xf32>,
      %get3A_192 = arith.index_cast %scan3A_174 : i32 to index
      %get3A_193 = arith.constant 16 : index
      %get3A_194 = tpu.vector_load %arg10[%get3A_192, %get3A_193] {strides = array<i32>} : memref<512x48xf32, #tpu.memory_space<vmem>>, vector<1x16xf32>,
      %get3A_195 = vector.shape_cast %get3A_194 : vector<1x16xf32> to vector<16xf32>
      %get3A_196 = arith.index_cast %scan3A_174 : i32 to index
      %get3A_197 = arith.constant 16 : index
      %get3A_198 = tpu.vector_load %arg8[%get3A_196, %get3A_197] {strides = array<i32>} : memref<512x48xf32, #tpu.memory_space<vmem>>, vector<1x16xf32>,
      %get3A_199 = vector.shape_cast %get3A_198 : vector<1x16xf32> to vector<16xf32>
      %mul3A_200 = arith.mulf %get3A_195, %get3A_199 : vector<16xf32>
      %get3A_201 = arith.index_cast %scan3A_174 : i32 to index
      %get3A_202 = arith.constant 16 : index
      %get3A_203 = tpu.vector_load %arg9[%get3A_201, %get3A_202] {strides = array<i32>} : memref<512x48xf32, #tpu.memory_space<vmem>>, vector<1x16xf32>,
      %get3A_204 = vector.shape_cast %get3A_203 : vector<1x16xf32> to vector<16xf32>
      %add3A_205 = arith.addf %mul3A_200, %get3A_204 : vector<16xf32>
      %swap3A_206 = arith.index_cast %scan3A_174 : i32 to index
      %swap3A_207 = arith.constant 16 : index
      %swap3A_208 = tpu.vector_load %arg10[%swap3A_206, %swap3A_207] {strides = array<i32>} : memref<512x48xf32, #tpu.memory_space<vmem>>, vector<1x16xf32>,
      %swap3A_209 = vector.shape_cast %swap3A_208 : vector<1x16xf32> to vector<16xf32>
      %swap3A_210 = vector.shape_cast %add3A_205 : vector<16xf32> to vector<1x16xf32>
      tpu.vector_store %arg10[%swap3A_206, %swap3A_207], %swap3A_210 {strides = array<i32>} : memref<512x48xf32, #tpu.memory_space<vmem>>, vector<1x16xf32>,
      %get3A_211 = arith.index_cast %scan3A_174 : i32 to index
      %get3A_212 = arith.constant 32 : index
      %get3A_213 = tpu.vector_load %arg10[%get3A_211, %get3A_212] {strides = array<i32>} : memref<512x48xf32, #tpu.memory_space<vmem>>, vector<1x16xf32>,
      %get3A_214 = vector.shape_cast %get3A_213 : vector<1x16xf32> to vector<16xf32>
      %get3A_215 = arith.index_cast %scan3A_174 : i32 to index
      %get3A_216 = arith.constant 32 : index
      %get3A_217 = tpu.vector_load %arg8[%get3A_215, %get3A_216] {strides = array<i32>} : memref<512x48xf32, #tpu.memory_space<vmem>>, vector<1x16xf32>,
      %get3A_218 = vector.shape_cast %get3A_217 : vector<1x16xf32> to vector<16xf32>
      %mul3A_219 = arith.mulf %get3A_214, %get3A_218 : vector<16xf32>
      %get3A_220 = arith.index_cast %scan3A_174 : i32 to index
      %get3A_221 = arith.constant 32 : index
      %get3A_222 = tpu.vector_load %arg9[%get3A_220, %get3A_221] {strides = array<i32>} : memref<512x48xf32, #tpu.memory_space<vmem>>, vector<1x16xf32>,
      %get3A_223 = vector.shape_cast %get3A_222 : vector<1x16xf32> to vector<16xf32>
      %add3A_224 = arith.addf %mul3A_219, %get3A_223 : vector<16xf32>
      %swap3A_225 = arith.index_cast %scan3A_174 : i32 to index
      %swap3A_226 = arith.constant 32 : index
      %swap3A_227 = tpu.vector_load %arg10[%swap3A_225, %swap3A_226] {strides = array<i32>} : memref<512x48xf32, #tpu.memory_space<vmem>>, vector<1x16xf32>,
      %swap3A_228 = vector.shape_cast %swap3A_227 : vector<1x16xf32> to vector<16xf32>
      %swap3A_229 = vector.shape_cast %add3A_224 : vector<16xf32> to vector<1x16xf32>
      tpu.vector_store %arg10[%swap3A_225, %swap3A_226], %swap3A_229 {strides = array<i32>} : memref<512x48xf32, #tpu.memory_space<vmem>>, vector<1x16xf32>,
      %scan3A_230 = arith.constant 1 : i32
      %scan3A_231 = arith.addi %scan3A_174, %scan3A_230 : i32
      %get3A_232 = arith.index_cast %scan3A_231 : i32 to index
      %get3A_233 = arith.constant 0 : index
      %get3A_234 = tpu.vector_load %arg10[%get3A_232, %get3A_233] {strides = array<i32>} : memref<512x48xf32, #tpu.memory_space<vmem>>, vector<1x16xf32>,
      %get3A_235 = vector.shape_cast %get3A_234 : vector<1x16xf32> to vector<16xf32>
      %get3A_236 = arith.index_cast %scan3A_231 : i32 to index
      %get3A_237 = arith.constant 0 : index
      %get3A_238 = tpu.vector_load %arg8[%get3A_236, %get3A_237] {strides = array<i32>} : memref<512x48xf32, #tpu.memory_space<vmem>>, vector<1x16xf32>,
      %get3A_239 = vector.shape_cast %get3A_238 : vector<1x16xf32> to vector<16xf32>
      %mul3A_240 = arith.mulf %get3A_235, %get3A_239 : vector<16xf32>
      %get3A_241 = arith.index_cast %scan3A_231 : i32 to index
      %get3A_242 = arith.constant 0 : index
      %get3A_243 = tpu.vector_load %arg9[%get3A_241, %get3A_242] {strides = array<i32>} : memref<512x48xf32, #tpu.memory_space<vmem>>, vector<1x16xf32>,
      %get3A_244 = vector.shape_cast %get3A_243 : vector<1x16xf32> to vector<16xf32>
      %add3A_245 = arith.addf %mul3A_240, %get3A_244 : vector<16xf32>
      %swap3A_246 = arith.index_cast %scan3A_231 : i32 to index
      %swap3A_247 = arith.constant 0 : index
      %swap3A_248 = tpu.vector_load %arg10[%swap3A_246, %swap3A_247] {strides = array<i32>} : memref<512x48xf32, #tpu.memory_space<vmem>>, vector<1x16xf32>,
      %swap3A_249 = vector.shape_cast %swap3A_248 : vector<1x16xf32> to vector<16xf32>
      %swap3A_250 = vector.shape_cast %add3A_245 : vector<16xf32> to vector<1x16xf32>
      tpu.vector_store %arg10[%swap3A_246, %swap3A_247], %swap3A_250 {strides = array<i32>} : memref<512x48xf32, #tpu.memory_space<vmem>>, vector<1x16xf32>,
      %get3A_251 = arith.index_cast %scan3A_231 : i32 to index
      %get3A_252 = arith.constant 16 : index
      %get3A_253 = tpu.vector_load %arg10[%get3A_251, %get3A_252] {strides = array<i32>} : memref<512x48xf32, #tpu.memory_space<vmem>>, vector<1x16xf32>,
      %get3A_254 = vector.shape_cast %get3A_253 : vector<1x16xf32> to vector<16xf32>
      %get3A_255 = arith.index_cast %scan3A_231 : i32 to index
      %get3A_256 = arith.constant 16 : index
      %get3A_257 = tpu.vector_load %arg8[%get3A_255, %get3A_256] {strides = array<i32>} : memref<512x48xf32, #tpu.memory_space<vmem>>, vector<1x16xf32>,
      %get3A_258 = vector.shape_cast %get3A_257 : vector<1x16xf32> to vector<16xf32>
      %mul3A_259 = arith.mulf %get3A_254, %get3A_258 : vector<16xf32>
      %get3A_260 = arith.index_cast %scan3A_231 : i32 to index
      %get3A_261 = arith.constant 16 : index
      %get3A_262 = tpu.vector_load %arg9[%get3A_260, %get3A_261] {strides = array<i32>} : memref<512x48xf32, #tpu.memory_space<vmem>>, vector<1x16xf32>,
      %get3A_263 = vector.shape_cast %get3A_262 : vector<1x16xf32> to vector<16xf32>
      %add3A_264 = arith.addf %mul3A_259, %get3A_263 : vector<16xf32>
      %swap3A_265 = arith.index_cast %scan3A_231 : i32 to index
      %swap3A_266 = arith.constant 16 : index
      %swap3A_267 = tpu.vector_load %arg10[%swap3A_265, %swap3A_266] {strides = array<i32>} : memref<512x48xf32, #tpu.memory_space<vmem>>, vector<1x16xf32>,
      %swap3A_268 = vector.shape_cast %swap3A_267 : vector<1x16xf32> to vector<16xf32>
      %swap3A_269 = vector.shape_cast %add3A_264 : vector<16xf32> to vector<1x16xf32>
      tpu.vector_store %arg10[%swap3A_265, %swap3A_266], %swap3A_269 {strides = array<i32>} : memref<512x48xf32, #tpu.memory_space<vmem>>, vector<1x16xf32>,
      %get3A_270 = arith.index_cast %scan3A_231 : i32 to index
      %get3A_271 = arith.constant 32 : index
      %get3A_272 = tpu.vector_load %arg10[%get3A_270, %get3A_271] {strides = array<i32>} : memref<512x48xf32, #tpu.memory_space<vmem>>, vector<1x16xf32>,
      %get3A_273 = vector.shape_cast %get3A_272 : vector<1x16xf32> to vector<16xf32>
      %get3A_274 = arith.index_cast %scan3A_231 : i32 to index
      %get3A_275 = arith.constant 32 : index
      %get3A_276 = tpu.vector_load %arg8[%get3A_274, %get3A_275] {strides = array<i32>} : memref<512x48xf32, #tpu.memory_space<vmem>>, vector<1x16xf32>,
      %get3A_277 = vector.shape_cast %get3A_276 : vector<1x16xf32> to vector<16xf32>
      %mul3A_278 = arith.mulf %get3A_273, %get3A_277 : vector<16xf32>
      %get3A_279 = arith.index_cast %scan3A_231 : i32 to index
      %get3A_280 = arith.constant 32 : index
      %get3A_281 = tpu.vector_load %arg9[%get3A_279, %get3A_280] {strides = array<i32>} : memref<512x48xf32, #tpu.memory_space<vmem>>, vector<1x16xf32>,
      %get3A_282 = vector.shape_cast %get3A_281 : vector<1x16xf32> to vector<16xf32>
      %add3A_283 = arith.addf %mul3A_278, %get3A_282 : vector<16xf32>
      %swap3A_284 = arith.index_cast %scan3A_231 : i32 to index
      %swap3A_285 = arith.constant 32 : index
      %swap3A_286 = tpu.vector_load %arg10[%swap3A_284, %swap3A_285] {strides = array<i32>} : memref<512x48xf32, #tpu.memory_space<vmem>>, vector<1x16xf32>,
      %swap3A_287 = vector.shape_cast %swap3A_286 : vector<1x16xf32> to vector<16xf32>
      %swap3A_288 = vector.shape_cast %add3A_283 : vector<16xf32> to vector<1x16xf32>
      tpu.vector_store %arg10[%swap3A_284, %swap3A_285], %swap3A_288 {strides = array<i32>} : memref<512x48xf32, #tpu.memory_space<vmem>>, vector<1x16xf32>,
      %scan3A_289 = arith.constant 2 : i32
      %scan3A_290 = arith.addi %scan3A_174, %scan3A_289 : i32
      %get3A_291 = arith.index_cast %scan3A_290 : i32 to index
      %get3A_292 = arith.constant 0 : index
      %get3A_293 = tpu.vector_load %arg10[%get3A_291, %get3A_292] {strides = array<i32>} : memref<512x48xf32, #tpu.memory_space<vmem>>, vector<1x16xf32>,
      %get3A_294 = vector.shape_cast %get3A_293 : vector<1x16xf32> to vector<16xf32>
      %get3A_295 = arith.index_cast %scan3A_290 : i32 to index
      %get3A_296 = arith.constant 0 : index
      %get3A_297 = tpu.vector_load %arg8[%get3A_295, %get3A_296] {strides = array<i32>} : memref<512x48xf32, #tpu.memory_space<vmem>>, vector<1x16xf32>,
      %get3A_298 = vector.shape_cast %get3A_297 : vector<1x16xf32> to vector<16xf32>
      %mul3A_299 = arith.mulf %get3A_294, %get3A_298 : vector<16xf32>
      %get3A_300 = arith.index_cast %scan3A_290 : i32 to index
      %get3A_301 = arith.constant 0 : index
      %get3A_302 = tpu.vector_load %arg9[%get3A_300, %get3A_301] {strides = array<i32>} : memref<512x48xf32, #tpu.memory_space<vmem>>, vector<1x16xf32>,
      %get3A_303 = vector.shape_cast %get3A_302 : vector<1x16xf32> to vector<16xf32>
      %add3A_304 = arith.addf %mul3A_299, %get3A_303 : vector<16xf32>
      %swap3A_305 = arith.index_cast %scan3A_290 : i32 to index
      %swap3A_306 = arith.constant 0 : index
      %swap3A_307 = tpu.vector_load %arg10[%swap3A_305, %swap3A_306] {strides = array<i32>} : memref<512x48xf32, #tpu.memory_space<vmem>>, vector<1x16xf32>,
      %swap3A_308 = vector.shape_cast %swap3A_307 : vector<1x16xf32> to vector<16xf32>
      %swap3A_309 = vector.shape_cast %add3A_304 : vector<16xf32> to vector<1x16xf32>
      tpu.vector_store %arg10[%swap3A_305, %swap3A_306], %swap3A_309 {strides = array<i32>} : memref<512x48xf32, #tpu.memory_space<vmem>>, vector<1x16xf32>,
      %get3A_310 = arith.index_cast %scan3A_290 : i32 to index
      %get3A_311 = arith.constant 16 : index
      %get3A_312 = tpu.vector_load %arg10[%get3A_310, %get3A_311] {strides = array<i32>} : memref<512x48xf32, #tpu.memory_space<vmem>>, vector<1x16xf32>,
      %get3A_313 = vector.shape_cast %get3A_312 : vector<1x16xf32> to vector<16xf32>
      %get3A_314 = arith.index_cast %scan3A_290 : i32 to index
      %get3A_315 = arith.constant 16 : index
      %get3A_316 = tpu.vector_load %arg8[%get3A_314, %get3A_315] {strides = array<i32>} : memref<512x48xf32, #tpu.memory_space<vmem>>, vector<1x16xf32>,
      %get3A_317 = vector.shape_cast %get3A_316 : vector<1x16xf32> to vector<16xf32>
      %mul3A_318 = arith.mulf %get3A_313, %get3A_317 : vector<16xf32>
      %get3A_319 = arith.index_cast %scan3A_290 : i32 to index
      %get3A_320 = arith.constant 16 : index
      %get3A_321 = tpu.vector_load %arg9[%get3A_319, %get3A_320] {strides = array<i32>} : memref<512x48xf32, #tpu.memory_space<vmem>>, vector<1x16xf32>,
      %get3A_322 = vector.shape_cast %get3A_321 : vector<1x16xf32> to vector<16xf32>
      %add3A_323 = arith.addf %mul3A_318, %get3A_322 : vector<16xf32>
      %swap3A_324 = arith.index_cast %scan3A_290 : i32 to index
      %swap3A_325 = arith.constant 16 : index
      %swap3A_326 = tpu.vector_load %arg10[%swap3A_324, %swap3A_325] {strides = array<i32>} : memref<512x48xf32, #tpu.memory_space<vmem>>, vector<1x16xf32>,
      %swap3A_327 = vector.shape_cast %swap3A_326 : vector<1x16xf32> to vector<16xf32>
      %swap3A_328 = vector.shape_cast %add3A_323 : vector<16xf32> to vector<1x16xf32>
      tpu.vector_store %arg10[%swap3A_324, %swap3A_325], %swap3A_328 {strides = array<i32>} : memref<512x48xf32, #tpu.memory_space<vmem>>, vector<1x16xf32>,
      %get3A_329 = arith.index_cast %scan3A_290 : i32 to index
      %get3A_330 = arith.constant 32 : index
      %get3A_331 = tpu.vector_load %arg10[%get3A_329, %get3A_330] {strides = array<i32>} : memref<512x48xf32, #tpu.memory_space<vmem>>, vector<1x16xf32>,
      %get3A_332 = vector.shape_cast %get3A_331 : vector<1x16xf32> to vector<16xf32>
      %get3A_333 = arith.index_cast %scan3A_290 : i32 to index
      %get3A_334 = arith.constant 32 : index
      %get3A_335 = tpu.vector_load %arg8[%get3A_333, %get3A_334] {strides = array<i32>} : memref<512x48xf32, #tpu.memory_space<vmem>>, vector<1x16xf32>,
      %get3A_336 = vector.shape_cast %get3A_335 : vector<1x16xf32> to vector<16xf32>
      %mul3A_337 = arith.mulf %get3A_332, %get3A_336 : vector<16xf32>
      %get3A_338 = arith.index_cast %scan3A_290 : i32 to index
      %get3A_339 = arith.constant 32 : index
      %get3A_340 = tpu.vector_load %arg9[%get3A_338, %get3A_339] {strides = array<i32>} : memref<512x48xf32, #tpu.memory_space<vmem>>, vector<1x16xf32>,
      %get3A_341 = vector.shape_cast %get3A_340 : vector<1x16xf32> to vector<16xf32>
      %add3A_342 = arith.addf %mul3A_337, %get3A_341 : vector<16xf32>
      %swap3A_343 = arith.index_cast %scan3A_290 : i32 to index
      %swap3A_344 = arith.constant 32 : index
      %swap3A_345 = tpu.vector_load %arg10[%swap3A_343, %swap3A_344] {strides = array<i32>} : memref<512x48xf32, #tpu.memory_space<vmem>>, vector<1x16xf32>,
      %swap3A_346 = vector.shape_cast %swap3A_345 : vector<1x16xf32> to vector<16xf32>
      %swap3A_347 = vector.shape_cast %add3A_342 : vector<16xf32> to vector<1x16xf32>
      tpu.vector_store %arg10[%swap3A_343, %swap3A_344], %swap3A_347 {strides = array<i32>} : memref<512x48xf32, #tpu.memory_space<vmem>>, vector<1x16xf32>,
      %scan3A_348 = arith.constant 3 : i32
      %scan3A_349 = arith.addi %scan3A_174, %scan3A_348 : i32
      %get3A_350 = arith.index_cast %scan3A_349 : i32 to index
      %get3A_351 = arith.constant 0 : index
      %get3A_352 = tpu.vector_load %arg10[%get3A_350, %get3A_351] {strides = array<i32>} : memref<512x48xf32, #tpu.memory_space<vmem>>, vector<1x16xf32>,
      %get3A_353 = vector.shape_cast %get3A_352 : vector<1x16xf32> to vector<16xf32>
      %get3A_354 = arith.index_cast %scan3A_349 : i32 to index
      %get3A_355 = arith.constant 0 : index
      %get3A_356 = tpu.vector_load %arg8[%get3A_354, %get3A_355] {strides = array<i32>} : memref<512x48xf32, #tpu.memory_space<vmem>>, vector<1x16xf32>,
      %get3A_357 = vector.shape_cast %get3A_356 : vector<1x16xf32> to vector<16xf32>
      %mul3A_358 = arith.mulf %get3A_353, %get3A_357 : vector<16xf32>
      %get3A_359 = arith.index_cast %scan3A_349 : i32 to index
      %get3A_360 = arith.constant 0 : index
      %get3A_361 = tpu.vector_load %arg9[%get3A_359, %get3A_360] {strides = array<i32>} : memref<512x48xf32, #tpu.memory_space<vmem>>, vector<1x16xf32>,
      %get3A_362 = vector.shape_cast %get3A_361 : vector<1x16xf32> to vector<16xf32>
      %add3A_363 = arith.addf %mul3A_358, %get3A_362 : vector<16xf32>
      %swap3A_364 = arith.index_cast %scan3A_349 : i32 to index
      %swap3A_365 = arith.constant 0 : index
      %swap3A_366 = tpu.vector_load %arg10[%swap3A_364, %swap3A_365] {strides = array<i32>} : memref<512x48xf32, #tpu.memory_space<vmem>>, vector<1x16xf32>,
      %swap3A_367 = vector.shape_cast %swap3A_366 : vector<1x16xf32> to vector<16xf32>
      %swap3A_368 = vector.shape_cast %add3A_363 : vector<16xf32> to vector<1x16xf32>
      tpu.vector_store %arg10[%swap3A_364, %swap3A_365], %swap3A_368 {strides = array<i32>} : memref<512x48xf32, #tpu.memory_space<vmem>>, vector<1x16xf32>,
      %get3A_369 = arith.index_cast %scan3A_349 : i32 to index
      %get3A_370 = arith.constant 16 : index
      %get3A_371 = tpu.vector_load %arg10[%get3A_369, %get3A_370] {strides = array<i32>} : memref<512x48xf32, #tpu.memory_space<vmem>>, vector<1x16xf32>,
      %get3A_372 = vector.shape_cast %get3A_371 : vector<1x16xf32> to vector<16xf32>
      %get3A_373 = arith.index_cast %scan3A_349 : i32 to index
      %get3A_374 = arith.constant 16 : index
      %get3A_375 = tpu.vector_load %arg8[%get3A_373, %get3A_374] {strides = array<i32>} : memref<512x48xf32, #tpu.memory_space<vmem>>, vector<1x16xf32>,
      %get3A_376 = vector.shape_cast %get3A_375 : vector<1x16xf32> to vector<16xf32>
      %mul3A_377 = arith.mulf %get3A_372, %get3A_376 : vector<16xf32>
      %get3A_378 = arith.index_cast %scan3A_349 : i32 to index
      %get3A_379 = arith.constant 16 : index
      %get3A_380 = tpu.vector_load %arg9[%get3A_378, %get3A_379] {strides = array<i32>} : memref<512x48xf32, #tpu.memory_space<vmem>>, vector<1x16xf32>,
      %get3A_381 = vector.shape_cast %get3A_380 : vector<1x16xf32> to vector<16xf32>
      %add3A_382 = arith.addf %mul3A_377, %get3A_381 : vector<16xf32>
      %swap3A_383 = arith.index_cast %scan3A_349 : i32 to index
      %swap3A_384 = arith.constant 16 : index
      %swap3A_385 = tpu.vector_load %arg10[%swap3A_383, %swap3A_384] {strides = array<i32>} : memref<512x48xf32, #tpu.memory_space<vmem>>, vector<1x16xf32>,
      %swap3A_386 = vector.shape_cast %swap3A_385 : vector<1x16xf32> to vector<16xf32>
      %swap3A_387 = vector.shape_cast %add3A_382 : vector<16xf32> to vector<1x16xf32>
      tpu.vector_store %arg10[%swap3A_383, %swap3A_384], %swap3A_387 {strides = array<i32>} : memref<512x48xf32, #tpu.memory_space<vmem>>, vector<1x16xf32>,
      %get3A_388 = arith.index_cast %scan3A_349 : i32 to index
      %get3A_389 = arith.constant 32 : index
      %get3A_390 = tpu.vector_load %arg10[%get3A_388, %get3A_389] {strides = array<i32>} : memref<512x48xf32, #tpu.memory_space<vmem>>, vector<1x16xf32>,
      %get3A_391 = vector.shape_cast %get3A_390 : vector<1x16xf32> to vector<16xf32>
      %get3A_392 = arith.index_cast %scan3A_349 : i32 to index
      %get3A_393 = arith.constant 32 : index
      %get3A_394 = tpu.vector_load %arg8[%get3A_392, %get3A_393] {strides = array<i32>} : memref<512x48xf32, #tpu.memory_space<vmem>>, vector<1x16xf32>,
      %get3A_395 = vector.shape_cast %get3A_394 : vector<1x16xf32> to vector<16xf32>
      %mul3A_396 = arith.mulf %get3A_391, %get3A_395 : vector<16xf32>
      %get3A_397 = arith.index_cast %scan3A_349 : i32 to index
      %get3A_398 = arith.constant 32 : index
      %get3A_399 = tpu.vector_load %arg9[%get3A_397, %get3A_398] {strides = array<i32>} : memref<512x48xf32, #tpu.memory_space<vmem>>, vector<1x16xf32>,
      %get3A_400 = vector.shape_cast %get3A_399 : vector<1x16xf32> to vector<16xf32>
      %add3A_401 = arith.addf %mul3A_396, %get3A_400 : vector<16xf32>
      %swap3A_402 = arith.index_cast %scan3A_349 : i32 to index
      %swap3A_403 = arith.constant 32 : index
      %swap3A_404 = tpu.vector_load %arg10[%swap3A_402, %swap3A_403] {strides = array<i32>} : memref<512x48xf32, #tpu.memory_space<vmem>>, vector<1x16xf32>,
      %swap3A_405 = vector.shape_cast %swap3A_404 : vector<1x16xf32> to vector<16xf32>
      %swap3A_406 = vector.shape_cast %add3A_401 : vector<16xf32> to vector<1x16xf32>
      tpu.vector_store %arg10[%swap3A_402, %swap3A_403], %swap3A_406 {strides = array<i32>} : memref<512x48xf32, #tpu.memory_space<vmem>>, vector<1x16xf32>,
    }
    %scan3A_173 = arith.constant 512 : i32
    "tpu.region"() ({
      %run_scoped3A = tpu.sem_alloc : memref<!tpu.dma_semaphore, #tpu.memory_space<semaphore_mem>>
      %dma_start3A_174 = arith.constant 0 : i32
      %dma_start3A_175 = tpu.memref_slice %arg6[%mul3A_2, %dma_start3A_174] : memref<16384x48xf32, #tpu.memory_space<hbm>> -> memref<512x48xf32, #tpu.memory_space<hbm>>
      %dma_start3A_176 = arith.constant 0 : i32
      %dma_start3A_177 = tpu.memref_slice %arg6[%mul3A_2, %dma_start3A_176] : memref<16384x48xf32, #tpu.memory_space<hbm>> -> memref<512x48xf32, #tpu.memory_space<hbm>>
      tpu.enqueue_dma source(%arg10 : memref<512x48xf32, #tpu.memory_space<vmem>>) target(%dma_start3A_177 : memref<512x48xf32, #tpu.memory_space<hbm>>) target_semaphore(%run_scoped3A : memref<!tpu.dma_semaphore, #tpu.memory_space<semaphore_mem>>)
      %dma_wait3A_178 = arith.constant 0 : i32
      %dma_wait3A_179 = tpu.memref_slice %arg6[%mul3A_2, %dma_wait3A_178] : memref<16384x48xf32, #tpu.memory_space<hbm>> -> memref<512x48xf32, #tpu.memory_space<hbm>>
      %dma_wait3A_180 = arith.constant 0 : i32
      %dma_wait3A_181 = tpu.memref_slice %arg6[%mul3A_2, %dma_wait3A_180] : memref<16384x48xf32, #tpu.memory_space<hbm>> -> memref<512x48xf32, #tpu.memory_space<hbm>>
      tpu.wait_dma2 semaphore(%run_scoped3A : memref<!tpu.dma_semaphore, #tpu.memory_space<semaphore_mem>>) src(%arg10 : memref<512x48xf32, #tpu.memory_space<vmem>>) dst(%dma_wait3A_181 : memref<512x48xf32, #tpu.memory_space<hbm>>)
      tpu.yield
    }) : () -> ()
    return
  }
}

</mosaic_0001>

<sc_bundles>
// kernel: kernel.3.cloned.1.call-start
scs
__scs_entry_jumppad:
0x0: {  	(pc) =	sbr.rel $0x88, $3  }
0x1: {  	(tag) =	ssettag $0x0;
	lr =	simm.s32 $0x1  }
0x2: {  	[smem:$0x3F9D] =	sst lr;
	_ =	strace $0xD0000000  }
0x3: {  	_ = 	snop  }
0x4: {  	_ = 	snop  }
0x5: {  	_ = 	snop  }
0x6: {  	_ = 	snop  }
0x7: {  	_ = 	snop  }
__scs_overlays_trampoline_lowered:
0x8: {  	[smem:$0x3FAC] =	sst s0  }
0x9: {  	[smem:$0x3FAD] =	sst s1  }
0xa: {  	[smem:$0x3FAE] =	sst s2  }
0xb: {  	[smem:$0x3FAF] =	sst s3  }
0xc: {  	[smem:$0x3FB0] =	sst s4  }
0xd: {  	[smem:$0x3FB1] =	sst s5  }
0xe: {  	[smem:$0x3FB2] =	sst s6  }
0xf: {  	[smem:$0x3FB3] =	sst s7  }
0x10: {  	[smem:$0x3FB4] =	sst s8  }
0x11: {  	[smem:$0x3FB5] =	sst s9;
	s0 =	simm.s32 @!p0 $0x0  }
0x12: {  	s1 =	sld [smem:$0x3F9B];
	s0 =	simm.s32 @p0 $0x1  }
0x13: {  	[smem:$0x3FB6] =	sst s0;
	s0 =	simm.s32 @!p1 $0x0  }
0x14: {  	s2 =	sld [smem:$0x3F9A];
	s0 =	simm.s32 @p1 $0x1  }
0x15: {  	[smem:$0x3FB7] =	sst s0;
	s0 =	simm.s32 @!p2 $0x0  }
0x16: {  	s3 =	sld [smem:$0x3FDB];
	s0 =	simm.s32 @p2 $0x1  }
0x17: {  	s4 =	simm.s32 $0x1BF5;
	[smem:$0x3FB9] =	sst s0  }
0x18: {  	s0 =	sld [smem:$0x3F9C];
	_ =	swait.ge [sflag:s4], $0x0  }
0x19: {  	s7 =	sld [smem:$0x3F9D]  }
0x1a: {  	s8 =	sadd.s32 $0xFFFFE003, lr  }
0x1b: {  	s9 =	sadd.s32 $0xFFFFFEF7, lr;
	s5 =	simm.s32 $0xFFFFFFFF;
	p2 =	slt.u32 s8, $0xFFFFF086  }
0x1c: {  	p1 =	slt.u32 s9, $0xF7A;
	s5 =	simm.s32 @!p2 $0x0  }
0x1d: {  	s5 =	simm.s32 @p1 $0x1;
	p0 =	seq.s32 s7, s2  }
0x1e: {  	s7 =	smul.u32 @!p0 $0xF7A, s2;
	p2 =	seq.s32 @!p0 s5, $0x0  }
0x1f: {  	s9 =	smul.u32 $0xF7A, s1;
	s8 =	simm.s32 @!p0 $0x1BF5;
	p2 =	por !p2, p0  }
0x20: {  	[sflag:s8] =	ssyncset.s32 @!p0 $0xFFFFF086;
	s6 =	sadd.s32 @!p0 s3, s7;
	s7 =	simm.s32 @!p0 $0x108  }
0x21: {  	s3 =	sadd.s32 s3, s9;
	s6 =	sadd.s32 @!p0 $0x88, s6;
	s7 =	simm.s32 @p2 $0x1082  }
0x22: {  	[simem:s7], [sflag:s8] =	dma.local @!p0 [hbm:s6], $0xF7A  }
0x23: {  	s9 =	sor.u32 $0xD0000000, s2;
	s6 =	simm.s32 $0x108;
	_ =	swait.ge @!p0 [sflag:s8], $0x0  }
0x24: {  	s3 =	sadd.s32 $0x88, s3;
	s6 =	simm.s32 @!p1 $0x1082;
	[sflag:s4] =	ssyncset.s32 $0xFFFFF086  }
0x25: {  	[simem:s6], [sflag:s4] =	dma.local [hbm:s3], $0xF7A  }
0x26: {  	[smem:$0x3F9D] =	sst s1;
	(tag) =	ssettag s2;
	_ =	strace s9  }
0x27: {  	s1 =	sld [smem:$0x3FAD]  }
0x28: {  	s2 =	sld [smem:$0x3FAE]  }
0x29: {  	s4 =	sld [smem:$0x3FB0]  }
0x2a: {  	p0 =	seq.s32 s5, $0x0;
	s5 =	sld [smem:$0x3FB1]  }
0x2b: {  	s6 =	sld [smem:$0x3FB2]  }
0x2c: {  	s7 =	sld [smem:$0x3FB3]  }
0x2d: {  	s3 =	simm.s32 $0x108;
	s8 =	sld [smem:$0x3FB4]  }
0x2e: {  	s3 =	simm.s32 @!p0 $0x1082;
	s9 =	sld [smem:$0x3FB5]  }
0x2f: {  	lr =	sadd.s32 s0, s3;
	s0 =	sld [smem:$0x3FAC]  }
0x30: {  	s3 =	sld [smem:$0x3FAF]  }
0x31: {  	[smem:$0x3FB8] =	sst s10  }
0x32: {  	s10 =	sld [smem:$0x3FB6];
	_ =	sdelay $0x3  }
0x33: {  	p0 =	seq.s32 s10, $0x1;
	s10 =	sld [smem:$0x3FB8];
	_ =	sdelay $0x3  }
0x34: {  	[smem:$0x3FB8] =	sst s10  }
0x35: {  	s10 =	sld [smem:$0x3FB7];
	_ =	sdelay $0x3  }
0x36: {  	p1 =	seq.s32 s10, $0x1;
	s10 =	sld [smem:$0x3FB8];
	_ =	sdelay $0x3  }
0x37: {  	[smem:$0x3FB8] =	sst s10  }
0x38: {  	s10 =	sld [smem:$0x3FB9]  }
0x39: {  	_ = 	snop;
	(pc) =	sbr.ind lr, $3  }
0x3a: {  	_ = 	snop  }
0x3b: {  	_ = 	snop  }
0x3c: {  	p2 =	seq.s32 s10, $0x1;
	s10 =	sld [smem:$0x3FB8]  }
0x3d: {  	_ =	shalt  }
0x3e: {  	_ =	shalt  }
0x3f: {  	_ =	shalt  }
0x40: {  	_ =	shalt  }
0x41: {  	_ =	shalt  }
0x42: {  	_ =	shalt  }
0x43: {  	_ =	shalt  }
0x44: {  	_ =	shalt  }
0x45: {  	_ =	shalt  }
0x46: {  	_ =	shalt  }
0x47: {  	_ =	shalt  }
0x48: {  	_ =	shalt  }
0x49: {  	_ =	shalt  }
0x4a: {  	_ =	shalt  }
0x4b: {  	_ =	shalt  }
0x4c: {  	_ =	shalt  }
0x4d: {  	_ =	shalt  }
0x4e: {  	_ =	shalt  }
0x4f: {  	_ =	shalt  }
0x50: {  	_ =	shalt  }
0x51: {  	_ =	shalt  }
0x52: {  	_ =	shalt  }
0x53: {  	_ =	shalt  }
0x54: {  	_ =	shalt  }
0x55: {  	_ =	shalt  }
0x56: {  	_ =	shalt  }
0x57: {  	_ =	shalt  }
0x58: {  	_ =	shalt  }
0x59: {  	_ =	shalt  }
0x5a: {  	_ =	shalt  }
0x5b: {  	_ =	shalt  }
0x5c: {  	_ =	shalt  }
0x5d: {  	_ =	shalt  }
0x5e: {  	_ =	shalt  }
0x5f: {  	_ =	shalt  }
0x60: {  	_ =	shalt  }
0x61: {  	_ =	shalt  }
0x62: {  	_ =	shalt  }
0x63: {  	_ =	shalt  }
0x64: {  	_ =	shalt  }
0x65: {  	_ =	shalt  }
0x66: {  	_ =	shalt  }
0x67: {  	_ =	shalt  }
0x68: {  	_ =	shalt  }
0x69: {  	_ =	shalt  }
0x6a: {  	_ =	shalt  }
0x6b: {  	_ =	shalt  }
0x6c: {  	_ =	shalt  }
0x6d: {  	_ =	shalt  }
0x6e: {  	_ =	shalt  }
0x6f: {  	_ =	shalt  }
0x70: {  	_ =	shalt  }
0x71: {  	_ =	shalt  }
0x72: {  	_ =	shalt  }
0x73: {  	_ =	shalt  }
0x74: {  	_ =	shalt  }
0x75: {  	_ =	shalt  }
0x76: {  	_ =	shalt  }
0x77: {  	_ =	shalt  }
0x78: {  	_ =	shalt  }
0x79: {  	_ =	shalt  }
0x7a: {  	_ =	shalt  }
0x7b: {  	_ =	shalt  }
0x7c: {  	_ =	shalt  }
0x7d: {  	_ =	shalt  }
0x7e: {  	_ =	shalt  }
0x7f: {  	_ =	shalt  }
0x80: {  	_ =	shalt  }
0x81: {  	_ =	shalt  }
0x82: {  	_ =	shalt  }
0x83: {  	_ =	shalt  }
0x84: {  	_ =	shalt  }
0x85: {  	_ =	shalt  }
0x86: {  	_ =	shalt  }
0x87: {  	_ =	shalt  }
.Lfunc_end0:
.L_simem_size_0:
called_computation.2_lowered:
.L_overlay_start_0:
0x88: {  	s2 =	sld [smem:$0x3FD9]  }
0x89: {  	s3 =	sld [smem:$0x3FFE];
	_ =	sdelay $0x1  }
0x8a: {  	s1 =	srdreg.scid  }
0x8b: {  	s0 =	sand.u32 $0x1, s1  }
0x8c: {  	s17 =	sshll.u32 s0, $0xA;
	s2 =	sadd.s32 s3, s2  }
0x8d: {  	s2 =	sadd.s32 s2, s17  }
0x8e: {  	[smem:$0x3FC4] =	sst s2  }
0x8f: {  	_ = 	snop  }
0x90: {  	s2 =	sld [smem:$0x3FC9]  }
0x91: {  	s18 =	sld [smem:$0x3FD0];
	(tm) =	ssettm $0x1  }
0x92: {  	s4 =	sld [smem:$0x3FFB];
	_ =	sdelay $0x3  }
0x93: {  	_ =	strace s4  }
0x94: {  	s4 =	sld [smem:$0x3FFC];
	_ =	sdelay $0x3  }
0x95: {  	_ =	strace s4  }
0x96: {  	s4 =	sld [smem:$0x3FFD];
	_ =	sdelay $0x3  }
0x97: {  	_ =	strace s4  }
0x98: {  	_ =	strace $0x8FFFFFFF  }
0x99: {  	s19 =	sld [smem:$0x3FDB];
	_ =	sdelay $0x1  }
0x9a: {  	s5 =	simm.s32 $_scs_section_size  }
0x9b: {  	s6 =	simm.s32 $_size__tile_overlayer_lowered;
	s7 =	simm.s32 $_tile_overlayer_lowered  }
0x9c: {  	s22 =	simm.s32 $0x1BFF;
	s21 =	sshll.u32 s7, $0x1;
	s4 =	sadd.s32 s5, s19  }
0x9d: {  	s8 =	simm.s32 $0x0;
	s20 =	sshll.u32 s6, $0x1;
	s6 =	sadd.s32 s21, s4  }
0x9e: {  	[timem:s8], [sflag:s22] =	dma.local [hbm:s6], s20  }
0x9f: {  	_ =	swait.ge [sflag:s22], s20  }
0xa0: {  	s5 =	ssub.s32 $0x0, s20;
	[sflag:s22] =	ssyncset.done $0x0  }
0xa1: {  	[sflag:s22] =	ssyncadd.s32 s5;
	_ =	sdelay $0x1  }
0xa2: {  	s23 =	simm.s32 $0x1B8B  }
0xa3: {  	_ =	swait.ge [sflag:s23], $0x1  }
0xa4: {  	[sflag:s23] =	ssyncset.done $0x0  }
0xa5: {  	s25 =	simm.s32 $0x1B8E;
	s24 =	sld [smem:$0x3FFE];
	[sflag:s23] =	ssyncadd.s32 $0xFFFFFFFF  }
0xa6: {  	s26 =	simm.s32 $execute0_lowered;
	[smem:$0x3FD2] =	sst s25  }
0xa7: {  	s6 =	sshll.u32 s26, $0x1;
	_ =	strace $0x8000004C;
	[dreg:$0x1] =	wrdreg $0xFFFFFFFF  }
0xa8: {  	s28 =	simm.s32 $_size_execute0_lowered;
	s4 =	sadd.s32 s4, s6;
	[dreg:$0x0] =	wrdreg $0x0  }
0xa9: {  	s6 =	sshll.u32 s28, $0x1;
	[dreg:$0x2] =	wrdreg s4  }
0xaa: {  	[dreg:$0x3] =	wrdreg s6  }
0xab: {  	[dreg:$0x4] =	wrdreg $0xC0  }
0xac: {  	_ =	task [dreg:s8], $0x5FFFF  }
0xad: {  	[dreg:$0x1] =	wrdreg $0xFFFFFFFF  }
0xae: {  	[dreg:$0x0] =	wrdreg $0x60  }
0xaf: {  	[dreg:$0x2] =	wrdreg s24  }
0xb0: {  	[dreg:$0x3] =	wrdreg s2  }
0xb1: {  	[dreg:$0x4] =	wrdreg s18  }
0xb2: {  	[dreg:$0x5] =	wrdreg $0x9  }
0xb3: {  	_ =	task.clear_ibuf [dreg:s8], $0x6FFFF;
	_ =	strace $0x9000004C  }
0xb4: {  	s29 =	simm.s32 $0x9;
	_ =	strace $0x8000004E  }
0xb5: {  	_ =	swait.ge [sflag:s29], $0x1  }
0xb6: {  	[sflag:s29] =	ssyncadd.s32 $0xFFFFFFFF  }
0xb7: {  	_ =	strace $0x9000004E  }
0xb8: {  	_ =	sfence  }
0xb9: {  	s30 =	sld [smem:$0x0];
	_ =	sdelay $0x2  }
0xba: {  	s31 =	sshll.u32 s1, $0xD;
	s1 =	sshrl.u32 s1, $0x2  }
0xbb: {  	s3 =	sand.u32 $0x4000, s31;
	s1 =	sadd.s32 s1, s30  }
0xbc: {  	s0 =	sor.u32 s3, s0;
	s1 =	sshll.u32 s1, $0x11  }
0xbd: {  	s0 =	sor.u32 s1, s0  }
0xbe: {  	s0 =	sadd.s32 $0x8F2B, s0  }
0xbf: {  	[sflag:s0] =	ssyncadd.remote.s32 $0x1  }
0xc0: {  	_ =	sfence.sel $0xFFFF  }
0xc1: {  	[dreg:$0x0] =	wrdreg $0xFFFFFFFF;
	(pc) =	sbr.abs _section_cstart, $3  }
0xc2: {  	[dreg:$0x1] =	wrdreg $0xFFFFFFFF  }
0xc3: {  	_ =	task.clear_ibuf [dreg:s8], $0x2FFFF;
	_ =	strace $0x9FFFFFFF  }
0xc4: {  	(tm) =	ssettm $0x7FFFFFFF  }
0xc5: {  	_ =	shalt  }
tec
execute0_lowered:
.L_overlay_start_1:
0x0: {  	(tag) =	ssettag $0x1  }
0x1: {  	s5 =	rddreg [dreg:$0x0]  }
0x2: {  	s6 =	rddreg [dreg:$0x1]  }
0x3: {  	s7 =	rddreg [dreg:$0x2]  }
0x4: {  	s2 =	srdreg.scid;
	s0 =	rddreg [dreg:$0x3]  }
0x5: {  	s1 =	stileid.u32;
	s12 =	simm.s32 $0x200;
	s13 =	simm.s32 $0x6200  }
0x6: {  	s14 =	simm.s32 $0x1A00;
	s15 =	simm.s32 $0x7A00;
	s16 =	simm.s32 $0x100  }
0x7: {  	s17 =	simm.s32 $0x3200;
	s18 =	simm.s32 $0x9200;
	s19 =	simm.s32 $0x180  }
0x8: {  	s20 =	simm.s32 $0x4A00;
	s21 =	simm.s32 $0xAA00;
	s22 =	simm.s32 $0x2  }
0x9: {  	s23 =	simm.s32 $0x1;
	s24 =	simm.s32 $0x0;
	s8 =	sand.u32 $0x1, s2  }
0xa: {  	s2 =	simm.s32 $0x0;
	s3 =	sshll.u32 s1, $0xA;
	s4 =	sshll.u32 s8, $0x9  }
0xb: {  	[smem:$0x7FF] =	sst s2;
	s8 =	ssub.s32 $0x2, s8;
	s9 =	sor.u32 s4, s3  }
0xc: {  	_ =	strace $0x8000004D;
	s31 =	sshrl.u32 s8, $0x1;
	s10 =	smul.u32 $0x6, s9  }
0xd: {  	s3 =	sadd.s32 $0x5B9C00, s5;
	s4 =	sadd.s32 $0xE00, s5;
	s8 =	ssub.s32 s8, s31  }
0xe: {  	s9 =	sshrl.u32 s9, $0x3;
	s8 =	smax.u32 s8, $0x1;
	s11 =	sadd.s32 s10, s5  }
0xf: {  	s5 =	sadd.s32 s6, s9;
	s6 =	sadd.s32 s7, s10;
	s9 =	simm.s32 $0x3  }
0x10: {  	s10 =	simm.s32 $0xC200;
	s7 =	sadd.s32 $0xB72A00, s11;
	s11 =	simm.s32 $0x80  }
.LBB2_1:
0x11: {  	[tilespmem:s2], [sflag:$0x3] =	stream.linear.gather [hbm4b:s5+s2], $0x200, $0x38;
	[tilespmem:$0x12200] =	vst v63  }
0x12: {  	_ =	swait.ge [sflag:s9], $0x200  }
0x13: {  	[sflag:s9] =	ssyncset.done $0x0  }
0x14: {  	[sflag:s9] =	ssyncadd.s32 $0xFFFFFE00  }
0x15: {  	[tilespmem:s10], [sflag:$0x2] =	stream.linear.gather [hbm4b:s6+s2], $0x6000, $0x38;
	[tilespmem:$0x12200] =	vst v63  }
0x16: {  	_ = 	snop  }
0x17: {  	[tilespmem:s12], [sflag:$0x1] =	stream.indirect.gather [hbm4b:s3+s11], $0x30, s2, s11, $0xb8;
	[tilespmem:$0x12200] =	vst v63  }
0x18: {  	_ = 	snop  }
0x19: {  	[tilespmem:s13], [sflag:$0x1] =	stream.indirect.gather [hbm4b:s4+s11], $0x30, s2, s11, $0xb8;
	[tilespmem:$0x12200] =	vst v63  }
0x1a: {  	_ = 	snop  }
0x1b: {  	[tilespmem:s14], [sflag:$0x1] =	stream.indirect.gather [hbm4b:s3+s11], $0x30, s11, s11, $0xb8;
	[tilespmem:$0x12200] =	vst v63  }
0x1c: {  	_ = 	snop  }
0x1d: {  	[tilespmem:s15], [sflag:$0x1] =	stream.indirect.gather [hbm4b:s4+s11], $0x30, s11, s11, $0xb8;
	[tilespmem:$0x12200] =	vst v63  }
0x1e: {  	_ = 	snop  }
0x1f: {  	[tilespmem:s17], [sflag:$0x1] =	stream.indirect.gather [hbm4b:s3+s11], $0x30, s16, s11, $0xb8;
	[tilespmem:$0x12200] =	vst v63  }
0x20: {  	_ = 	snop  }
0x21: {  	[tilespmem:s18], [sflag:$0x1] =	stream.indirect.gather [hbm4b:s4+s11], $0x30, s16, s11, $0xb8;
	[tilespmem:$0x12200] =	vst v63  }
0x22: {  	_ = 	snop  }
0x23: {  	[tilespmem:s20], [sflag:$0x1] =	stream.indirect.gather [hbm4b:s3+s11], $0x30, s19, s11, $0xb8;
	[tilespmem:$0x12200] =	vst v63  }
0x24: {  	_ = 	snop  }
0x25: {  	[tilespmem:s21], [sflag:$0x1] =	stream.indirect.gather [hbm4b:s4+s11], $0x30, s19, s11, $0xb8;
	[tilespmem:$0x12200] =	vst v63  }
0x26: {  	_ =	swait.ge [sflag:s22], $0x6000  }
0x27: {  	[sflag:s22] =	ssyncset.done $0x0  }
0x28: {  	[sflag:s22] =	ssyncadd.s32 $0xFFFFA000  }
0x29: {  	_ =	swait.ge [sflag:s23], $0x1800  }
0x2a: {  	[sflag:s23] =	ssyncset.done $0x0  }
0x2b: {  	[sflag:s23] =	ssyncadd.s32 $0xFFFFE800  }
0x2c: {  	_ =	swait.ge [sflag:s23], $0x1800  }
0x2d: {  	[sflag:s23] =	ssyncset.done $0x0  }
0x2e: {  	[sflag:s23] =	ssyncadd.s32 $0xFFFFE800  }
0x2f: {  	_ =	swait.ge [sflag:s23], $0x1800  }
0x30: {  	[sflag:s23] =	ssyncset.done $0x0  }
0x31: {  	[sflag:s23] =	ssyncadd.s32 $0xFFFFE800  }
0x32: {  	_ =	swait.ge [sflag:s23], $0x1800  }
0x33: {  	[sflag:s23] =	ssyncset.done $0x0  }
0x34: {  	[sflag:s23] =	ssyncadd.s32 $0xFFFFE800  }
0x35: {  	_ =	swait.ge [sflag:s23], $0x1800  }
0x36: {  	[sflag:s23] =	ssyncset.done $0x0  }
0x37: {  	[sflag:s23] =	ssyncadd.s32 $0xFFFFE800  }
0x38: {  	_ =	swait.ge [sflag:s23], $0x1800  }
0x39: {  	[sflag:s23] =	ssyncset.done $0x0  }
0x3a: {  	[sflag:s23] =	ssyncadd.s32 $0xFFFFE800  }
0x3b: {  	_ =	swait.ge [sflag:s23], $0x1800  }
0x3c: {  	[sflag:s23] =	ssyncset.done $0x0  }
0x3d: {  	[sflag:s23] =	ssyncadd.s32 $0xFFFFE800  }
0x3e: {  	_ =	swait.ge [sflag:s23], $0x1800  }
0x3f: {  	[sflag:s23] =	ssyncset.done $0x0  }
0x40: {  	s28 =	simm.s32 $0xC260;
	[sflag:s23] =	ssyncadd.s32 $0xFFFFE800  }
0x41: {  	s25 =	simm.s32 $0x260;
	v0 =	vld [tilespmem:s28+$0xFFFFFFA0]  }
0x42: {  	v1 =	vld [tilespmem:s25+$0xFFFFFFA0]  }
0x43: {  	s26 =	simm.s32 $0x6260  }
0x44: {  	v2 =	vld [tilespmem:s26+$0xFFFFFFA0];
	_ =	sdelay $0x2  }
0x45: {  	v0 =	vmul.f32 v1, v0;
	_ =	sdelay $0x1  }
0x46: {  	v0 =	vadd.f32 v2, v0;
	_ =	sdelay $0x1  }
0x47: {  	[tilespmem:s28+$0xFFFFFFA0] =	vst v0;
	v0 =	vld [tilespmem:s28+$0xFFFFFFB0]  }
0x48: {  	v1 =	vld [tilespmem:s25+$0xFFFFFFB0];
	_ =	sdelay $0x1  }
0x49: {  	v2 =	vld [tilespmem:s26+$0xFFFFFFB0];
	_ =	sdelay $0x2  }
0x4a: {  	v0 =	vmul.f32 v1, v0;
	_ =	sdelay $0x1  }
0x4b: {  	v0 =	vadd.f32 v2, v0;
	_ =	sdelay $0x1  }
0x4c: {  	[tilespmem:s28+$0xFFFFFFB0] =	vst v0;
	v0 =	vld [tilespmem:s28+$0xFFFFFFC0]  }
0x4d: {  	v1 =	vld [tilespmem:s25+$0xFFFFFFC0];
	_ =	sdelay $0x1  }
0x4e: {  	v2 =	vld [tilespmem:s26+$0xFFFFFFC0];
	_ =	sdelay $0x2  }
0x4f: {  	v0 =	vmul.f32 v1, v0;
	_ =	sdelay $0x1  }
0x50: {  	v0 =	vadd.f32 v2, v0;
	_ =	sdelay $0x1  }
0x51: {  	[tilespmem:s28+$0xFFFFFFC0] =	vst v0;
	v0 =	vld [tilespmem:s28+$0xFFFFFFD0]  }
0x52: {  	v1 =	vld [tilespmem:s25+$0xFFFFFFD0];
	_ =	sdelay $0x1  }
0x53: {  	v2 =	vld [tilespmem:s26+$0xFFFFFFD0];
	_ =	sdelay $0x2  }
0x54: {  	v0 =	vmul.f32 v1, v0;
	_ =	sdelay $0x1  }
0x55: {  	v0 =	vadd.f32 v2, v0;
	_ =	sdelay $0x1  }
0x56: {  	[tilespmem:s28+$0xFFFFFFD0] =	vst v0;
	v0 =	vld [tilespmem:s28+$0xFFFFFFE0]  }
0x57: {  	v1 =	vld [tilespmem:s25+$0xFFFFFFE0];
	_ =	sdelay $0x1  }
0x58: {  	v2 =	vld [tilespmem:s26+$0xFFFFFFE0];
	_ =	sdelay $0x2  }
0x59: {  	v0 =	vmul.f32 v1, v0;
	_ =	sdelay $0x1  }
0x5a: {  	v0 =	vadd.f32 v2, v0;
	_ =	sdelay $0x1  }
0x5b: {  	[tilespmem:s28+$0xFFFFFFE0] =	vst v0;
	v0 =	vld [tilespmem:s28+$0xFFFFFFF0]  }
0x5c: {  	v1 =	vld [tilespmem:s25+$0xFFFFFFF0];
	_ =	sdelay $0x1  }
0x5d: {  	v2 =	vld [tilespmem:s26+$0xFFFFFFF0];
	_ =	sdelay $0x2  }
0x5e: {  	v0 =	vmul.f32 v1, v0;
	_ =	sdelay $0x1  }
0x5f: {  	v0 =	vadd.f32 v2, v0;
	_ =	sdelay $0x1  }
0x60: {  	[tilespmem:s28+$0xFFFFFFF0] =	vst v0;
	v0 =	vld [tilespmem:s28+$0x0]  }
0x61: {  	v1 =	vld [tilespmem:s25+$0x0];
	_ =	sdelay $0x1  }
0x62: {  	v2 =	vld [tilespmem:s26+$0x0];
	_ =	sdelay $0x2  }
0x63: {  	v0 =	vmul.f32 v1, v0;
	_ =	sdelay $0x1  }
0x64: {  	v0 =	vadd.f32 v2, v0;
	_ =	sdelay $0x1  }
0x65: {  	[tilespmem:s28+$0x0] =	vst v0;
	v0 =	vld [tilespmem:s28+$0x10]  }
0x66: {  	v1 =	vld [tilespmem:s25+$0x10];
	_ =	sdelay $0x1  }
0x67: {  	v2 =	vld [tilespmem:s26+$0x10];
	_ =	sdelay $0x2  }
0x68: {  	v0 =	vmul.f32 v1, v0;
	_ =	sdelay $0x1  }
0x69: {  	v0 =	vadd.f32 v2, v0;
	_ =	sdelay $0x1  }
0x6a: {  	[tilespmem:s28+$0x10] =	vst v0;
	v0 =	vld [tilespmem:s28+$0x20]  }
0x6b: {  	v1 =	vld [tilespmem:s25+$0x20];
	_ =	sdelay $0x1  }
0x6c: {  	v2 =	vld [tilespmem:s26+$0x20];
	_ =	sdelay $0x2  }
0x6d: {  	v0 =	vmul.f32 v1, v0;
	_ =	sdelay $0x1  }
0x6e: {  	v0 =	vadd.f32 v2, v0;
	_ =	sdelay $0x1  }
0x6f: {  	[tilespmem:s28+$0x20] =	vst v0;
	v0 =	vld [tilespmem:s28+$0x30]  }
0x70: {  	v1 =	vld [tilespmem:s25+$0x30];
	_ =	sdelay $0x1  }
0x71: {  	v2 =	vld [tilespmem:s26+$0x30];
	_ =	sdelay $0x2  }
0x72: {  	v0 =	vmul.f32 v1, v0;
	_ =	sdelay $0x1  }
0x73: {  	v0 =	vadd.f32 v2, v0;
	_ =	sdelay $0x1  }
0x74: {  	[tilespmem:s28+$0x30] =	vst v0;
	v0 =	vld [tilespmem:s28+$0x40]  }
0x75: {  	v1 =	vld [tilespmem:s25+$0x40];
	_ =	sdelay $0x1  }
0x76: {  	v2 =	vld [tilespmem:s26+$0x40];
	_ =	sdelay $0x2  }
0x77: {  	v0 =	vmul.f32 v1, v0;
	_ =	sdelay $0x1  }
0x78: {  	v0 =	vadd.f32 v2, v0;
	_ =	sdelay $0x1  }
0x79: {  	[tilespmem:s28+$0x40] =	vst v0;
	v0 =	vld [tilespmem:s28+$0x50]  }
0x7a: {  	v1 =	vld [tilespmem:s25+$0x50];
	_ =	sdelay $0x1  }
0x7b: {  	v2 =	vld [tilespmem:s26+$0x50];
	_ =	sdelay $0x2  }
0x7c: {  	v0 =	vmul.f32 v1, v0;
	_ =	sdelay $0x1  }
0x7d: {  	v0 =	vadd.f32 v2, v0  }
0x7e: {  	s29 =	simm.s32 $0x0;
	s30 =	simm.s32 $0xC320  }
.LBB2_2:
0x7f: {  	v1 =	vld [tilespmem:s30+$0xFFFFFFA0];
	s29 =	sadd.s32 $0x4, s29;
	[tilespmem:s28+$0x50] =	vst v0;
	s25 =	sadd.s32 $0xC0, s25;
	s26 =	sadd.s32 $0xC0, s26  }
0x80: {  	s28 =	smov.u32 s30;
	v0 =	vld [tilespmem:s25+$0xFFFFFFA0];
	p0 =	slt.u32 s29, $0x1FC;
	_ =	sdelay $0x1  }
0x81: {  	v2 =	vld [tilespmem:s26+$0xFFFFFFA0];
	_ =	sdelay $0x2  }
0x82: {  	v0 =	vmul.f32 v0, v1;
	_ =	sdelay $0x1  }
0x83: {  	v0 =	vadd.f32 v2, v0;
	_ =	sdelay $0x1  }
0x84: {  	[tilespmem:s30+$0xFFFFFFA0] =	vst v0;
	v0 =	vld [tilespmem:s30+$0xFFFFFFB0]  }
0x85: {  	v1 =	vld [tilespmem:s25+$0xFFFFFFB0];
	_ =	sdelay $0x1  }
0x86: {  	v2 =	vld [tilespmem:s26+$0xFFFFFFB0];
	_ =	sdelay $0x2  }
0x87: {  	v0 =	vmul.f32 v1, v0;
	_ =	sdelay $0x1  }
0x88: {  	v0 =	vadd.f32 v2, v0;
	_ =	sdelay $0x1  }
0x89: {  	[tilespmem:s30+$0xFFFFFFB0] =	vst v0;
	v0 =	vld [tilespmem:s30+$0xFFFFFFC0]  }
0x8a: {  	v1 =	vld [tilespmem:s25+$0xFFFFFFC0];
	_ =	sdelay $0x1  }
0x8b: {  	v2 =	vld [tilespmem:s26+$0xFFFFFFC0];
	_ =	sdelay $0x2  }
0x8c: {  	v0 =	vmul.f32 v1, v0;
	_ =	sdelay $0x1  }
0x8d: {  	v0 =	vadd.f32 v2, v0;
	_ =	sdelay $0x1  }
0x8e: {  	[tilespmem:s30+$0xFFFFFFC0] =	vst v0;
	v0 =	vld [tilespmem:s30+$0xFFFFFFD0]  }
0x8f: {  	v1 =	vld [tilespmem:s25+$0xFFFFFFD0];
	_ =	sdelay $0x1  }
0x90: {  	v2 =	vld [tilespmem:s26+$0xFFFFFFD0];
	_ =	sdelay $0x2  }
0x91: {  	v0 =	vmul.f32 v1, v0;
	_ =	sdelay $0x1  }
0x92: {  	v0 =	vadd.f32 v2, v0;
	_ =	sdelay $0x1  }
0x93: {  	[tilespmem:s30+$0xFFFFFFD0] =	vst v0;
	v0 =	vld [tilespmem:s30+$0xFFFFFFE0]  }
0x94: {  	v1 =	vld [tilespmem:s25+$0xFFFFFFE0];
	_ =	sdelay $0x1  }
0x95: {  	v2 =	vld [tilespmem:s26+$0xFFFFFFE0];
	_ =	sdelay $0x2  }
0x96: {  	v0 =	vmul.f32 v1, v0;
	_ =	sdelay $0x1  }
0x97: {  	v0 =	vadd.f32 v2, v0;
	_ =	sdelay $0x1  }
0x98: {  	[tilespmem:s30+$0xFFFFFFE0] =	vst v0;
	v0 =	vld [tilespmem:s30+$0xFFFFFFF0]  }
0x99: {  	v1 =	vld [tilespmem:s25+$0xFFFFFFF0];
	_ =	sdelay $0x1  }
0x9a: {  	v2 =	vld [tilespmem:s26+$0xFFFFFFF0];
	_ =	sdelay $0x2  }
0x9b: {  	v0 =	vmul.f32 v1, v0;
	_ =	sdelay $0x1  }
0x9c: {  	v0 =	vadd.f32 v2, v0;
	_ =	sdelay $0x1  }
0x9d: {  	[tilespmem:s30+$0xFFFFFFF0] =	vst v0;
	v0 =	vld [tilespmem:s30+$0x0]  }
0x9e: {  	v1 =	vld [tilespmem:s25+$0x0];
	_ =	sdelay $0x1  }
0x9f: {  	v2 =	vld [tilespmem:s26+$0x0];
	_ =	sdelay $0x2  }
0xa0: {  	v0 =	vmul.f32 v1, v0;
	_ =	sdelay $0x1  }
0xa1: {  	v0 =	vadd.f32 v2, v0;
	_ =	sdelay $0x1  }
0xa2: {  	[tilespmem:s30+$0x0] =	vst v0;
	v0 =	vld [tilespmem:s30+$0x10]  }
0xa3: {  	v1 =	vld [tilespmem:s25+$0x10]  }
0xa4: {  	v2 =	vld [tilespmem:s26+$0x10];
	_ =	sdelay $0x3  }
0xa5: {  	v0 =	vmul.f32 v1, v0;
	_ =	sdelay $0x1  }
0xa6: {  	v0 =	vadd.f32 v2, v0;
	_ =	sdelay $0x1  }
0xa7: {  	[tilespmem:s30+$0x10] =	vst v0;
	v0 =	vld [tilespmem:s30+$0x20]  }
0xa8: {  	v1 =	vld [tilespmem:s25+$0x20]  }
0xa9: {  	v2 =	vld [tilespmem:s26+$0x20];
	_ =	sdelay $0x3  }
0xaa: {  	v0 =	vmul.f32 v1, v0;
	_ =	sdelay $0x1  }
0xab: {  	v0 =	vadd.f32 v2, v0;
	_ =	sdelay $0x1  }
0xac: {  	[tilespmem:s30+$0x20] =	vst v0;
	v0 =	vld [tilespmem:s30+$0x30]  }
0xad: {  	v1 =	vld [tilespmem:s25+$0x30]  }
0xae: {  	v2 =	vld [tilespmem:s26+$0x30];
	_ =	sdelay $0x3  }
0xaf: {  	v0 =	vmul.f32 v1, v0;
	_ =	sdelay $0x1  }
0xb0: {  	v0 =	vadd.f32 v2, v0;
	_ =	sdelay $0x1  }
0xb1: {  	[tilespmem:s30+$0x30] =	vst v0;
	v0 =	vld [tilespmem:s30+$0x40]  }
0xb2: {  	v1 =	vld [tilespmem:s25+$0x40]  }
0xb3: {  	v2 =	vld [tilespmem:s26+$0x40];
	_ =	sdelay $0x3  }
0xb4: {  	v0 =	vmul.f32 v1, v0;
	_ =	sdelay $0x1  }
0xb5: {  	v0 =	vadd.f32 v2, v0;
	_ =	sdelay $0x1  }
0xb6: {  	[tilespmem:s30+$0x40] =	vst v0;
	v0 =	vld [tilespmem:s30+$0x50]  }
0xb7: {  	v1 =	vld [tilespmem:s25+$0x50]  }
0xb8: {  	v2 =	vld [tilespmem:s26+$0x50];
	_ =	sdelay $0x2  }
.Ltmp0:
0xb9: {  	(pc) =	sbr.rel @p0 .LBB2_2-.Ltmp0, $3  }
0xba: {  	v0 =	vmul.f32 v1, v0;
	_ =	sdelay $0x1  }
0xbb: {  	v0 =	vadd.f32 v2, v0  }
0xbc: {  	s30 =	sadd.s32 $0xC0, s30  }
0xbd: {  	s24 =	sadd.s32 $0x1, s24  }
0xbe: {  	p0 =	sne.s32 s24, s8  }
.Ltmp1:
0xbf: {  	[tilespmem:s28+$0x50] =	vst v0;
	(pc) =	sbr.rel @p0 .LBB2_1-.Ltmp1, $4  }
0xc0: {  	[hbm4b:s7+s2] =	stream.linear.scatter [tilespmem:s10], [sflag:$0x3], $0x6000, $0x38;
	[tilespmem:$0x12200] =	vst v63  }
0xc1: {  	_ =	swait.ge [sflag:s9], $0x6000  }
0xc2: {  	[sflag:s9] =	ssyncset.done $0x0  }
0xc3: {  	[sflag:s9] =	ssyncadd.s32 $0xFFFFA000  }
0xc4: {  	_ =	sfence.sel $0x180000  }
0xc5: {  	[bflag:$0x0] =	sbarrier.arrive $0xFFFF  }
0xc6: {  	p0 =	sne.s32 s1, $0x0;
	_ =	strace $0x9000004D  }
0xc7: {  	s0 =	sadd.s32 @!p0 $0x100000, s0;
	[bflag:$0x2] =	sbarrier.arrive $0xFFFF  }
0xc8: {  	[sflag:s0] =	ssyncadd.tile.s32 @!p0 $0x1;
	_ =	shalt  }
.Lfunc_end2:
_tile_overlayer_lowered:
.L_overlay_start_2:
0xc9: {  	(tag) =	ssettag $0x2  }
0xca: {  	s0 =	rddreg [dreg:$0x0];
	s2 =	stileid.u32  }
0xcb: {  	s1 =	rddreg [dreg:$0x1];
	p0 =	sne.s32 s2, $0x0  }
0xcc: {  	s3 =	rddreg [dreg:$0x2];
	[bflag:$0x3] =	sbarrier.arrive $0xFFFF;
	s2 =	simm.s32 @!p0 $0x1C03  }
0xcd: {  	[timem:s3], [sflag:s2] =	dma.local @!p0 [hbm:s0], s1  }
0xce: {  	s0 =	simm.s32 @!p0 $0x3  }
0xcf: {  	_ =	swait.ge @!p0 [sflag:s0], s1  }
0xd0: {  	s1 =	ssub.s32 @!p0 $0x0, s1;
	[sflag:s0] =	ssyncset.done @!p0 $0x0  }
0xd1: {  	[sflag:s0] =	ssyncadd.s32 @!p0 s1  }
0xd2: {  	[bflag:$0x3] =	sbarrier.arrive $0xFFFF  }
0xd3: {  	_ =	shalt  }

// kernel: sparse-core-data-format-call.1.cloned.1.call-start
scs
called_computation.1_lowered:
.L_overlay_start_0:
0x0: {  	s2 =	sld [smem:$0x3FD9]  }
0x1: {  	s3 =	sld [smem:$0x3FFE];
	_ =	sdelay $0x1  }
0x2: {  	s1 =	srdreg.scid  }
0x3: {  	s0 =	sand.u32 $0x1, s1  }
0x4: {  	s18 =	sshll.u32 s0, $0xA;
	s2 =	sadd.s32 s3, s2  }
0x5: {  	s2 =	sadd.s32 s2, s18  }
0x6: {  	[smem:$0x3FC4] =	sst s2  }
0x7: {  	_ = 	snop  }
0x8: {  	(tm) =	ssettm $0x1  }
0x9: {  	s19 =	sld [smem:$0x3FFB];
	_ =	sdelay $0x3  }
0xa: {  	_ =	strace s19  }
0xb: {  	s2 =	sld [smem:$0x3FFC];
	_ =	sdelay $0x3  }
0xc: {  	_ =	strace s2  }
0xd: {  	s2 =	sld [smem:$0x3FFD];
	_ =	sdelay $0x3  }
0xe: {  	_ =	strace s2  }
0xf: {  	_ =	strace $0x8FFFFFFF  }
0x10: {  	s20 =	sld [smem:$0x3FDB];
	_ =	sdelay $0x1  }
0x11: {  	s21 =	simm.s32 $_scs_section_size  }
0x12: {  	s4 =	simm.s32 $_size__tile_overlayer_lowered;
	s5 =	simm.s32 $_tile_overlayer_lowered  }
0x13: {  	s6 =	simm.s32 $0x1BFF;
	s22 =	sshll.u32 s5, $0x1;
	s3 =	sadd.s32 s21, s20  }
0x14: {  	s23 =	simm.s32 $0x0;
	s4 =	sshll.u32 s4, $0x1;
	s5 =	sadd.s32 s22, s3  }
0x15: {  	[timem:s23], [sflag:s6] =	dma.local [hbm:s5], s4  }
0x16: {  	_ =	swait.ge [sflag:s6], s4  }
0x17: {  	s4 =	ssub.s32 $0x0, s4;
	[sflag:s6] =	ssyncset.done $0x0  }
0x18: {  	[sflag:s6] =	ssyncadd.s32 s4;
	_ =	sdelay $0x1  }
0x19: {  	s24 =	simm.s32 $0x1B8B  }
0x1a: {  	_ =	swait.ge [sflag:s24], $0x1  }
0x1b: {  	[sflag:s24] =	ssyncset.done $0x0  }
0x1c: {  	[sflag:s24] =	ssyncadd.s32 $0xFFFFFFFF  }
0x1d: {  	s4 =	sld [smem:$0x0]  }
0x1e: {  	s5 =	sand.u32 $0xFFFFFFFE, s1  }
0x1f: {  	p0 =	sne.s32 s1, s5  }
0x20: {  	s5 =	sshll.u32 @p0 s5, $0xE  }
0x21: {  	s5 =	sadd.s32 @p0 $0x11B8D, s5;
	s6 =	sshll.u32 @p0 s4, $0x11  }
0x22: {  	s5 =	sor.u32 @p0 s6, s5  }
0x23: {  	[sflag:s5] =	ssyncadd.remote.s32 @p0 $0x1;
	_ =	sdelay $0x1  }
0x24: {  	s5 =	simm.s32 @p0 $0x1B8D  }
0x25: {  	_ =	swait.eq @p0 [sflag:s5], $0x1  }
0x26: {  	[sflag:s5] =	ssyncadd.s32 @p0 $0xFFFFFFFF  }
0x27: {  	s6 =	sshll.u32 @!p0 s1, $0xE  }
0x28: {  	s6 =	sor.u32 @!p0 $0x4000, s6;
	s5 =	simm.s32 @!p0 $0x1B8D  }
0x29: {  	s4 =	sshll.u32 @!p0 s4, $0x11;
	s6 =	sadd.s32 @!p0 $0x11B8D, s6;
	_ =	swait.eq @!p0 [sflag:s5], $0x1  }
0x2a: {  	s4 =	sor.u32 @!p0 s4, s6;
	[sflag:s5] =	ssyncadd.s32 @!p0 $0xFFFFFFFF  }
0x2b: {  	s26 =	simm.s32 $0x1B8E;
	s25 =	sld [smem:$0x3FFE];
	[sflag:s4] =	ssyncadd.remote.s32 @!p0 $0x1  }
0x2c: {  	s27 =	simm.s32 $execute0_lowered;
	[smem:$0x3FD2] =	sst s26  }
0x2d: {  	s5 =	sshll.u32 s27, $0x1;
	_ =	strace $0x80000049;
	[dreg:$0x1] =	wrdreg $0xFFFFFFFF  }
0x2e: {  	s28 =	simm.s32 $_size_execute0_lowered;
	s3 =	sadd.s32 s3, s5;
	[dreg:$0x0] =	wrdreg $0x0  }
0x2f: {  	s5 =	sshll.u32 s28, $0x1;
	[dreg:$0x2] =	wrdreg s3  }
0x30: {  	[dreg:$0x3] =	wrdreg s5  }
0x31: {  	[dreg:$0x4] =	wrdreg $0xC0  }
0x32: {  	_ =	task [dreg:s23], $0x5FFFF  }
0x33: {  	[dreg:$0x1] =	wrdreg $0xFFFFFFFF  }
0x34: {  	[dreg:$0x0] =	wrdreg $0x60  }
0x35: {  	[dreg:$0x2] =	wrdreg s25  }
0x36: {  	[dreg:$0x3] =	wrdreg $0xA  }
0x37: {  	_ =	task.clear_ibuf [dreg:s23], $0x4FFFF;
	_ =	strace $0x90000049  }
0x38: {  	s29 =	simm.s32 $0xA;
	_ =	strace $0x8000004B  }
0x39: {  	_ =	swait.ge [sflag:s29], $0x1  }
0x3a: {  	[sflag:s29] =	ssyncadd.s32 $0xFFFFFFFF  }
0x3b: {  	_ =	strace $0x9000004B  }
0x3c: {  	_ =	sfence  }
0x3d: {  	s30 =	sld [smem:$0x0];
	_ =	sdelay $0x2  }
0x3e: {  	s31 =	sshll.u32 s1, $0xD;
	s1 =	sshrl.u32 s1, $0x2  }
0x3f: {  	s4 =	sand.u32 $0x4000, s31;
	s1 =	sadd.s32 s1, s30  }
0x40: {  	s0 =	sor.u32 s4, s0;
	s1 =	sshll.u32 s1, $0x11  }
0x41: {  	s0 =	sor.u32 s1, s0  }
0x42: {  	s0 =	sadd.s32 $0x8F2B, s0  }
0x43: {  	[sflag:s0] =	ssyncadd.remote.s32 $0x1  }
0x44: {  	_ =	sfence.sel $0xFFFF  }
0x45: {  	[dreg:$0x0] =	wrdreg $0xFFFFFFFF;
	(pc) =	sbr.abs _section_cstart, $3  }
0x46: {  	[dreg:$0x1] =	wrdreg $0xFFFFFFFF  }
0x47: {  	_ =	task.clear_ibuf [dreg:s23], $0x2FFFF;
	_ =	strace $0x9FFFFFFF  }
0x48: {  	(tm) =	ssettm $0x7FFFFFFF  }
0x49: {  	_ =	shalt  }
tec
execute0_lowered:
.L_overlay_start_1:
0x0: {  	(tag) =	ssettag $0x1  }
0x1: {  	s0 =	srdreg.scid;
	s1 =	rddreg [dreg:$0x0]  }
0x2: {  	s2 =	stileid.u32;
	_ =	strace $0x8000004A;
	s29 =	simm.s32 $0x1  }
0x3: {  	s31 =	simm.s32 $0x2;
	s14 =	simm.s32 $0x0;
	s0 =	sshll.u32 s0, $0x4  }
0x4: {  	s9 =	simm.s32 $0x0;
	s8 =	simm.s32 $0x0;
	s0 =	sand.u32 $0x10, s0  }
0x5: {  	s27 =	sadd.s32 $0x1C9D600, s1;
	s28 =	sadd.s32 $0x2256600, s1;
	s0 =	sor.u32 s2, s0  }
.Ltmp0:
0x6: {  	[dreg:$0x2] =	wrdreg s27;
	s10 =	sshll.u32 s0, $0x7;
	(pc) =	sbr.rel .LBB1_1-.Ltmp0, $4  }
0x7: {  	s11 =	simm.s32 $0x0;
	[dreg:$0x4] =	wrdreg s28;
	s30 =	ssub.s32 $0xF4200, s10  }
0x8: {  	s12 =	simm.s32 $0x0;
	[dreg:$0x3] =	wrdreg s10;
	s0 =	sshrl.u32 s30, $0xC  }
0x9: {  	[sflag:s29] =	ssyncpa.u1 $0x0;
	[dreg:$0x5] =	wrdreg s0;
	s7 =	sadd.s32 $0x2, s0  }
0xa: {  	s13 =	simm.s32 $0x0;
	[sflag:s31] =	ssyncpa.u1 $0x0;
	[dreg:$0x6] =	wrdreg s7  }
.LBB1_12:
0xb: {  	s8 =	rddreg [dreg:$0x7]  }
0xc: {  	s4 =	rddreg [dreg:$0xb]  }
0xd: {  	s1 =	sshll.u32 s11, $0x3;
	s24 =	rddreg [dreg:$0xa]  }
0xe: {  	s3 =	smov.u32 s11;
	s27 =	sshrl.u32 s11, $0x3;
	s29 =	rddreg [dreg:$0x4]  }
0xf: {  	s28 =	sand.u32 $0x7, s11;
	s7 =	rddreg [dreg:$0x6];
	s0 =	sshll.u32 s8, $0x7  }
0x10: {  	s1 =	sand.u32 $0xFFFFFC00, s1;
	p0 =	sgt.s32 s8, $0xF41C0;
	s2 =	sand.u32 $0xFFFFFC00, s0  }
0x11: {  	s0 =	sand.u32 $0x380, s0;
	s1 =	sadd.s32 s1, s2;
	s2 =	smov.u32 s8  }
0x12: {  	s9 =	rddreg [dreg:$0x8];
	s0 =	sor.u32 s0, s1;
	s2 =	simm.s32 @!p0 $0xF41C0  }
0x13: {  	p0 =	sgt.s32 s11, $0x40;
	s0 =	sshrl.u32 s0, $0x7;
	s2 =	sadd.s32 s4, s2  }
0x14: {  	s3 =	simm.s32 @!p0 $0x40;
	s23 =	smulhi.u32 $0x218DEF5, s0;
	s25 =	sadd.s32 $0xFFF0BE40, s2  }
0x15: {  	s3 =	sadd.s32 s24, s3;
	s2 =	ssub.s32 $0xF4240, s2;
	p0 =	sgt.s32 s25, $0x7F  }
0x16: {  	s26 =	sadd.s32 $0xFFFFFFC0, s3;
	s3 =	ssub.s32 $0x80, s3;
	s1 =	sshrl.u32 s23, $0xD  }
0x17: {  	s2 =	simm.s32 @p0 $0x0;
	p0 =	sgt.s32 s26, $0x3F;
	s1 =	smul.u32 $0xF4240, s1  }
0x18: {  	s31 =	simm.s32 $0x80;
	s14 =	rddreg [dreg:$0x9];
	s3 =	simm.s32 @p0 $0x0  }
0x19: {  	s2 =	smul.u32 s3, s2;
	s0 =	ssub.s32 s0, s1;
	s1 =	sand.u32 $0xF, s27  }
0x1a: {  	s3 =	sshll.u32 s28, $0x12;
	s0 =	sshll.u32 s0, $0x4;
	s1 =	sadd.s32 s29, s1  }
0x1b: {  	s30 =	sor.u32 $0x40, s3;
	s2 =	sand.u32 $0x3FFFFFFF, s2;
	s0 =	sadd.s32 s0, s1  }
0x1c: {  	[hbm4b:s0+s30] =	stream.strided.scatter [tilespmem:s18], [sflag:$0x2], s2, s31, s30, $0x18;
	[tilespmem:$0x8100] =	vst v63  }
.LBB1_13:
0x1d: {  	p0 =	slt.u32 s13, $0x2  }
0x1e: {  	s1 =	smov.u32 s14;
	s2 =	smov.u32 s9;
	p1 =	sgt.s32 @!p0 s14, $0xF41C0  }
0x1f: {  	s0 =	sshra.s32 @!p0 s14, $0x1F;
	p2 =	sgt.s32 @!p0 s9, $0x40;
	s3 =	sshra.s32 @!p0 s9, $0x1F  }
0x20: {  	p1 =	por !p1, p0;
	s0 =	sand.u32 @!p0 s0, s14;
	p2 =	por !p2, p0  }
0x21: {  	s3 =	sand.u32 @!p0 s3, s9;
	s1 =	simm.s32 @p1 $0xF41C0;
	s2 =	simm.s32 @p2 $0x40  }
0x22: {  	s0 =	ssub.s32 @!p0 s1, s0;
	s1 =	ssub.s32 @!p0 s2, s3  }
0x23: {  	s2 =	sadd.s32 @!p0 $0xFFF0BE40, s0;
	s3 =	sadd.s32 @!p0 $0xFFFFFFC0, s1  }
0x24: {  	s0 =	ssub.s32 @!p0 $0xF4240, s0;
	p1 =	sgt.s32 @!p0 s2, $0x7F;
	p2 =	sgt.s32 @!p0 s3, $0x3F  }
0x25: {  	s1 =	ssub.s32 @!p0 $0x80, s1;
	p1 =	por !p1, p0;
	p2 =	por !p2, p0  }
0x26: {  	s0 =	simm.s32 @!p1 $0x0;
	s1 =	simm.s32 @!p2 $0x0  }
0x27: {  	s0 =	smul.u32 @!p0 s1, s0  }
0x28: {  	s4 =	smov.u32 s12  }
0x29: {  	s2 =	simm.s32 @!p0 $0x2;
	s1 =	sadd.s32 $0x1000, s10;
	s0 =	sand.u32 @!p0 $0x3FFFFFFF, s0  }
0x2a: {  	s3 =	sadd.s32 $0x40, s12;
	p1 =	sgt.s32 s1, $0xF423F;
	_ =	swait.ge @!p0 [sflag:s2], s0  }
0x2b: {  	s4 =	smov.u32 @p1 s3;
	s3 =	rddreg [dreg:$0x3]  }
0x2c: {  	s1 =	smov.u32 @p1 s3;
	p1 =	sgt.s32 s4, $0x2F  }
0x2d: {  	s4 =	simm.s32 @p1 $0x0;
	p1 =	sne.s32 s13, s7  }
.Ltmp1:
0x2e: {  	_ = 	snop;
	(pc) =	sbr.rel @!p1 .LBB1_14-.Ltmp1, $4  }
0x2f: {  	s14 =	smov.u32 s8  }
0x30: {  	s9 =	smov.u32 s11;
	s0 =	ssub.s32 @!p0 $0x0, s0;
	[sflag:s2] =	ssyncset.done @!p0 $0x0  }
0x31: {  	s8 =	smov.u32 s10;
	s11 =	smov.u32 s12;
	[sflag:s2] =	ssyncadd.s32 @!p0 s0  }
0x32: {  	s13 =	sadd.s32 $0x1, s13;
	s10 =	smov.u32 s1;
	s12 =	smov.u32 s4  }
.LBB1_1:
0x33: {  	s0 =	rddreg [dreg:$0x5]  }
0x34: {  	p0 =	sgt.u32 s13, s0  }
0x35: {  	s0 =	sshrl.u32 @!p0 s12, $0x3  }
0x36: {  	s1 =	sshll.u32 @!p0 s10, $0x3;
	s0 =	smul.u32 @!p0 $0x7A1400, s0  }
0x37: {  	s5 =	smov.u32 s10;
	s2 =	sshll.u32 @!p0 s12, $0x7;
	s1 =	sand.u32 @!p0 $0xFFFFFC00, s1  }
0x38: {  	s3 =	sand.u32 @!p0 $0x7F, s10;
	s0 =	sadd.s32 @!p0 s0, s1;
	s1 =	sand.u32 @!p0 $0x380, s2  }
0x39: {  	p1 =	sgt.s32 @!p0 s12, $0xFFFFFFF0;
	s4 =	sshra.s32 @!p0 s12, $0x1F;
	s0 =	sor.u32 @!p0 s1, s0  }
0x3a: {  	s6 =	sshra.s32 @!p0 s10, $0x1F;
	p1 =	por !p1, p0;
	s1 =	smulhi.u32 @!p0 $0x218D6287, s0  }
0x3b: {  	s4 =	sand.u32 @!p0 s4, s12;
	s0 =	sor.u32 @!p0 s3, s0;
	s3 =	smov.u32 s12  }
0x3c: {  	s3 =	simm.s32 @p1 $0xFFFFFFF0;
	p1 =	sgt.s32 @!p0 s10, $0xF4200;
	s1 =	sshrl.u32 @!p0 s1, $0x11  }
0x3d: {  	p1 =	por !p1, p0;
	s3 =	ssub.s32 @!p0 s3, s4;
	s2 =	smul.u32 @!p0 $0xAAB, s1  }
0x3e: {  	s4 =	sand.u32 @!p0 s6, s10;
	s6 =	smulhi.u32 @!p0 $0x218D6287, s0;
	s5 =	simm.s32 @p1 $0xF4200  }
0x3f: {  	s4 =	ssub.s32 @!p0 s5, s4;
	s5 =	sadd.s32 @!p0 $0x10, s3;
	s2 =	sshrl.u32 @!p0 s2, $0x11  }
0x40: {  	p1 =	sgt.s32 @!p0 s5, $0x3F;
	s5 =	sshrl.u32 @!p0 s6, $0x11;
	s2 =	smul.u32 @!p0 $0x30, s2  }
0x41: {  	s3 =	ssub.s32 @!p0 $0x30, s3;
	s5 =	smul.u32 @!p0 $0xF4280, s5  }
0x42: {  	p1 =	por !p1, p0;
	s1 =	ssub.s32 @!p0 s1, s2;
	s2 =	sadd.s32 @!p0 $0xFFF0BE00, s4  }
0x43: {  	s3 =	simm.s32 @!p1 $0x0;
	s4 =	ssub.s32 @!p0 $0xF4280, s4;
	p2 =	sgt.s32 @!p0 s2, $0x7F  }
0x44: {  	s0 =	ssub.s32 @!p0 s0, s5;
	s1 =	sand.u32 @!p0 $0xFFFF, s1;
	p2 =	por !p2, p0  }
0x45: {  	s2 =	sxor.u32 @!p0 $0xFFFFFFFF, s13;
	s1 =	smul.u32 @!p0 $0x1E850, s1;
	s4 =	simm.s32 @!p2 $0x0  }
0x46: {  	s5 =	rddreg [dreg:$0x2];
	s2 =	sshll.u32 @!p0 s2, $0xD;
	s3 =	smul.u32 @!p0 s3, s4  }
0x47: {  	s2 =	sand.u32 @!p0 $0x2000, s2;
	s4 =	sshrl.u32 @!p0 s0, $0x3;
	s0 =	sand.u32 @!p0 $0x7, s0  }
0x48: {  	s4 =	sadd.s32 @!p0 s5, s4;
	s0 =	sshll.u32 @!p0 s0, $0x12;
	s3 =	sand.u32 @!p0 $0x3FFFFFFF, s3  }
0x49: {  	s1 =	sadd.s32 @!p0 s1, s4;
	s0 =	sor.u32 @!p0 $0x400, s0;
	s4 =	simm.s32 @!p0 $0x7A1400  }
0x4a: {  	[tilespmem:s2], [sflag:$0x1] =	stream.strided.gather @!p0 [hbm4b:s1+s0], s3, s4, s0, $0x38;
	[tilespmem:$0x8100] =	vst v63  }
0x4b: {  	p0 =	seq.s32 s13, $0x0  }
0x4c: {  	p1 =	sge.u32 @!p0 s13, s7  }
0x4d: {  	p0 =	por p0, p1  }
.Ltmp2:
0x4e: {  	_ = 	snop;
	(pc) =	sbr.rel @p0 .LBB1_13-.Ltmp2, $1  }
0x4f: {  	_ =	sdelay $0x3  }
0x50: {  	s0 =	ssub.s32 $0x0, s11;
	s1 =	sshra.s32 s11, $0x1F;
	p0 =	sgt.s32 s11, $0xFFFFFFF0  }
0x51: {  	s2 =	smov.u32 s11;
	s25 =	ssub.s32 $0x0, s8;
	s26 =	sshra.s32 s8, $0x1F  }
0x52: {  	s3 =	smov.u32 s8;
	s2 =	simm.s32 @!p0 $0xFFFFFFF0;
	p0 =	sgt.s32 s8, $0xF4200  }
0x53: {  	s4 =	sand.u32 s0, s1;
	s1 =	sand.u32 s25, s26;
	s3 =	simm.s32 @!p0 $0xF4200  }
0x54: {  	s2 =	sadd.s32 s4, s2;
	[dreg:$0xb] =	wrdreg s1;
	s1 =	sadd.s32 s1, s3  }
0x55: {  	s27 =	sadd.s32 $0x10, s2;
	s2 =	ssub.s32 $0x30, s2;
	s28 =	sadd.s32 $0xFFF0BE00, s1  }
0x56: {  	p0 =	sgt.s32 s27, $0x3F;
	s0 =	ssub.s32 $0xF4280, s1;
	p1 =	sgt.s32 s28, $0x7F  }
0x57: {  	s2 =	simm.s32 @p0 $0x0;
	s0 =	simm.s32 @p1 $0x0  }
0x58: {  	s29 =	smul.u32 s2, s0;
	s2 =	sadd.s32 $0x40, s11  }
0x59: {  	p0 =	slt.s32 s2, $0x30  }
0x5a: {  	s2 =	simm.s32 @!p0 $0x30  }
0x5b: {  	[dreg:$0x9] =	wrdreg s14;
	s19 =	ssub.s32 s2, s11  }
0x5c: {  	[dreg:$0x8] =	wrdreg s9;
	p0 =	slt.s32 s19, $0x1  }
.Ltmp3:
0x5d: {  	[dreg:$0x7] =	wrdreg s8;
	s30 =	simm.s32 $0x1;
	(pc) =	sbr.rel @p0 .LBB1_12-.Ltmp3, $4  }
0x5e: {  	[dreg:$0xa] =	wrdreg s4;
	s0 =	sand.u32 $0x1, s13;
	s1 =	sand.u32 $0x3FFFFFFF, s29  }
0x5f: {  	s31 =	smul.u32 $0x2080, s0;
	_ =	swait.ge [sflag:s30], s1  }
0x60: {  	s1 =	ssub.s32 $0x0, s1;
	[sflag:s30] =	ssyncset.done $0x0  }
0x61: {  	s18 =	sor.u32 $0x4000, s31;
	[sflag:s30] =	ssyncadd.s32 s1  }
0x62: {  	s2 =	rddreg [dreg:$0x7]  }
0x63: {  	s1 =	sadd.s32 $0x80, s2  }
0x64: {  	p0 =	slt.s32 s1, $0xF4240  }
.Ltmp4:
0x65: {  	s1 =	simm.s32 @!p0 $0xF4240;
	(pc) =	sbr.rel .LBB1_4-.Ltmp4, $4  }
0x66: {  	s22 =	sshll.u32 s0, $0xD;
	s1 =	ssub.s32 s1, s2  }
0x67: {  	s24 =	simm.s32 $0x0;
	s25 =	simm.s32 $0x400;
	s1 =	sadd.s32 $0xF, s1  }
0x68: {  	s20 =	sand.u32 $0xFFFFFFF0, s1;
	s21 =	sand.u32 $0xFFFFFF00, s1;
	s31 =	sshll.u32 s1, $0x3  }
0x69: {  	p0 =	slt.s32 s1, $0x100;
	s23 =	sand.u32 $0xFFFFF800, s31;
	p1 =	sge.s32 s21, s20  }
.LBB1_11:
0x6a: {  	s24 =	sadd.s32 $0x1, s24  }
0x6b: {  	p2 =	sne.s32 s24, s19  }
.Ltmp5:
0x6c: {  	_ = 	snop;
	(pc) =	sbr.rel @!p2 .LBB1_12-.Ltmp5, $2  }
0x6d: {  	_ =	sdelay $0x2  }
0x6e: {  	s25 =	sadd.s32 $0x80, s25  }
.LBB1_4:
.Ltmp6:
0x6f: {  	(pc) =	sbr.rel @p0 .LBB1_8-.Ltmp6, $2  }
0x70: {  	_ =	sdelay $0x2  }
0x71: {  	s26 =	sshll.u32 s24, $0x7;
	s27 =	sand.u32 $0x7F, s24  }
0x72: {  	s1 =	sshll.u32 s24, $0x3  }
0x73: {  	s5 =	sand.u32 $0x380, s26;
	s2 =	sshrl.u32 s1, $0x7  }
0x74: {  	s3 =	sadd.s32 $0x800, s1;
	s6 =	sadd.s32 $0x1000, s1;
	s17 =	sadd.s32 s5, s22  }
0x75: {  	s9 =	sadd.s32 $0x1800, s1;
	s16 =	sadd.s32 $0x2800, s1;
	s7 =	sadd.s32 $0x3000, s1  }
0x76: {  	s1 =	sadd.s32 $0x3800, s1;
	s0 =	sand.u32 $0x78, s2;
	s3 =	sshrl.u32 s3, $0x7  }
0x77: {  	s8 =	sshrl.u32 s6, $0x7;
	s6 =	sshrl.u32 s9, $0x7;
	s9 =	sshrl.u32 s1, $0x7  }
0x78: {  	v0 =	vmov s17;
	s17 =	sand.u32 $0x1C00, s25;
	s4 =	smul.u32 $0x104, s0;
	s3 =	sand.u32 $0x78, s3  }
0x79: {  	s5 =	sand.u32 $0x78, s8;
	s14 =	sand.u32 $0x78, s6;
	s3 =	smul.u32 $0x104, s3  }
0x7a: {  	s0 =	sxor.u32 $0x40, s0;
	s5 =	smul.u32 $0x104, s5;
	s4 =	sshrl.u32 s4, $0x2  }
0x7b: {  	s8 =	sshrl.u32 s7, $0x7;
	s0 =	smul.u32 $0x104, s0;
	s4 =	sadd.s32 s4, s18  }
0x7c: {  	s3 =	sshrl.u32 s3, $0x2;
	s15 =	sshrl.u32 s5, $0x2;
	s5 =	sshrl.u32 s16, $0x7  }
0x7d: {  	s0 =	sshrl.u32 s0, $0x2;
	s16 =	sadd.s32 $0x20, s2;
	s3 =	sadd.s32 s3, s18  }
0x7e: {  	s28 =	sadd.s32 s27, s4;
	s4 =	sadd.s32 s15, s18;
	s6 =	sadd.s32 s0, s18  }
0x7f: {  	s15 =	sadd.s32 $0x10, s2;
	s7 =	sand.u32 $0x78, s16;
	s16 =	sadd.s32 $0x30, s2  }
0x80: {  	s29 =	sadd.s32 s27, s3;
	s3 =	smul.u32 $0x104, s14;
	s30 =	sadd.s32 s27, s4  }
0x81: {  	s4 =	sand.u32 $0x78, s5;
	s31 =	sadd.s32 s27, s6;
	s6 =	smul.u32 $0x104, s7  }
0x82: {  	s5 =	sand.u32 $0x78, s15;
	s7 =	sadd.s32 $0x50, s2;
	s4 =	smul.u32 $0x104, s4  }
0x83: {  	s14 =	sand.u32 $0x78, s9;
	s5 =	smul.u32 $0x104, s5;
	s7 =	sand.u32 $0x78, s7  }
0x84: {  	s3 =	sshrl.u32 s3, $0x2;
	s6 =	sshrl.u32 s6, $0x2;
	s7 =	smul.u32 $0x104, s7  }
0x85: {  	s3 =	sadd.s32 s3, s18;
	s4 =	sshrl.u32 s4, $0x2;
	s5 =	sshrl.u32 s5, $0x2  }
0x86: {  	s15 =	sadd.s32 s6, s18;
	s0 =	sadd.s32 s27, s3;
	s3 =	sand.u32 $0x78, s8  }
0x87: {  	s4 =	sadd.s32 s4, s18;
	s9 =	sadd.s32 s5, s18;
	s5 =	sand.u32 $0x78, s16  }
0x88: {  	s7 =	sshrl.u32 s7, $0x2;
	s3 =	smul.u32 $0x104, s3;
	s1 =	sadd.s32 s27, s4  }
0x89: {  	s4 =	smul.u32 $0x104, s14;
	s14 =	sadd.s32 $0x60, s2;
	s2 =	sadd.s32 $0x70, s2  }
0x8a: {  	s6 =	sadd.s32 s27, s9;
	s14 =	sand.u32 $0x78, s14;
	s2 =	sand.u32 $0x78, s2  }
0x8b: {  	v1 =	vld.idx.msk [tilespmem:v0+s17+$0x0 ss:$0x1], $0xffff;
	s3 =	sshrl.u32 s3, $0x2;
	s4 =	sshrl.u32 s4, $0x2;
	s14 =	smul.u32 $0x104, s14  }
0x8c: {  	s16 =	smul.u32 $0x104, s2;
	s2 =	sadd.s32 s27, s15;
	s3 =	sadd.s32 s3, s18  }
0x8d: {  	s8 =	sadd.s32 s27, s3;
	s3 =	sadd.s32 s4, s18;
	s15 =	sshrl.u32 s14, $0x2  }
0x8e: {  	s9 =	sshrl.u32 s16, $0x2;
	s4 =	sadd.s32 s27, s3;
	s3 =	sadd.s32 s7, s18  }
0x8f: {  	s7 =	sadd.s32 s15, s18;
	s14 =	sadd.s32 s9, s18;
	s15 =	sadd.s32 $0xFFFFFC00, s25  }
0x90: {  	[tilespmem:s28+$0x0 ss:$0x41] =	vst.msk $0xffff, v1;
	v1 =	vld.idx.msk [tilespmem:v0+s17+$0x20 ss:$0x1], $0xffff;
	s16 =	sadd.s32 s27, s14;
	s14 =	sand.u32 $0x1C00, s15  }
0x91: {  	v2 =	vld.idx.msk [tilespmem:v0+s14+$0x70 ss:$0x1], $0xffff  }
0x92: {  	v3 =	vld.idx.msk [tilespmem:v0+s14+$0x0 ss:$0x1], $0xffff  }
0x93: {  	v4 =	vld.idx.msk [tilespmem:v0+s14+$0x10 ss:$0x1], $0xffff  }
0x94: {  	v5 =	vld.idx.msk [tilespmem:v0+s14+$0x20 ss:$0x1], $0xffff  }
0x95: {  	v6 =	vld.idx.msk [tilespmem:v0+s14+$0x30 ss:$0x1], $0xffff  }
0x96: {  	v7 =	vld.idx.msk [tilespmem:v0+s14+$0x40 ss:$0x1], $0xffff;
	[tilespmem:s4+$0x0 ss:$0x41] =	vst.msk $0xffff, v2  }
0x97: {  	v8 =	vld.idx.msk [tilespmem:v0+s14+$0x50 ss:$0x1], $0xffff;
	[tilespmem:s28+$0x0 ss:$0x41] =	vst.msk $0xffff, v3  }
0x98: {  	p2 =	sgt.s32 s21, $0x100;
	s5 =	smul.u32 $0x104, s5;
	v9 =	vld.idx.msk [tilespmem:v0+s14+$0x60 ss:$0x1], $0xffff;
	[tilespmem:s29+$0x0 ss:$0x41] =	vst.msk $0xffff, v4  }
.Ltmp7:
0x99: {  	v4 =	vld.idx.msk [tilespmem:v0+s17+$0x10 ss:$0x1], $0xffff;
	[tilespmem:s30+$0x0 ss:$0x41] =	vst.msk $0xffff, v5;
	(pc) =	sbr.rel @!p2 .LBB1_7-.Ltmp7, $4  }
0x9a: {  	s5 =	sshrl.u32 s5, $0x2;
	[tilespmem:s0+$0x0 ss:$0x41] =	vst.msk $0xffff, v6;
	v2 =	vld.idx.msk [tilespmem:v0+s17+$0x30 ss:$0x1], $0xffff  }
0x9b: {  	s5 =	sadd.s32 s5, s18;
	[tilespmem:s31+$0x0 ss:$0x41] =	vst.msk $0xffff, v7;
	v3 =	vld.idx.msk [tilespmem:v0+s17+$0x40 ss:$0x1], $0xffff  }
0x9c: {  	s5 =	sadd.s32 s27, s5;
	s3 =	sadd.s32 s27, s3;
	[tilespmem:s1+$0x0 ss:$0x41] =	vst.msk $0xffff, v8;
	v5 =	vld.idx.msk [tilespmem:v0+s17+$0x50 ss:$0x1], $0xffff  }
0x9d: {  	s7 =	sadd.s32 s27, s7;
	s15 =	sadd.s32 $0x800, s25;
	s14 =	simm.s32 $0x100;
	[tilespmem:s8+$0x0 ss:$0x41] =	vst.msk $0xffff, v9;
	v6 =	vld.idx.msk [tilespmem:v0+s17+$0x60 ss:$0x1], $0xffff  }
.LBB1_6:
0x9e: {  	s9 =	sadd.s32 $0xFFFFFC00, s15;
	s14 =	sadd.s32 $0x100, s14;
	[tilespmem:s6+$0x0 ss:$0x41] =	vst.msk $0xffff, v4;
	v4 =	vld.idx.msk [tilespmem:v0+s17+$0x70 ss:$0x1], $0xffff;
	s17 =	sand.u32 $0x1C00, s15  }
0x9f: {  	s9 =	sand.u32 $0x1C00, s9;
	v7 =	vld.idx.msk [tilespmem:v0+s17+$0x0 ss:$0x1], $0xffff;
	p2 =	slt.s32 s14, s21;
	[tilespmem:s2+$0x0 ss:$0x41] =	vst.msk $0xffff, v1  }
0xa0: {  	v1 =	vld.idx.msk [tilespmem:v0+s9+$0x70 ss:$0x1], $0xffff;
	[tilespmem:s5+$0x0 ss:$0x41] =	vst.msk $0xffff, v2  }
0xa1: {  	v2 =	vld.idx.msk [tilespmem:v0+s9+$0x0 ss:$0x1], $0xffff;
	[tilespmem:s31+$0x0 ss:$0x41] =	vst.msk $0xffff, v3  }
0xa2: {  	v3 =	vld.idx.msk [tilespmem:v0+s9+$0x10 ss:$0x1], $0xffff;
	[tilespmem:s3+$0x0 ss:$0x41] =	vst.msk $0xffff, v5  }
0xa3: {  	v5 =	vld.idx.msk [tilespmem:v0+s9+$0x20 ss:$0x1], $0xffff;
	[tilespmem:s7+$0x0 ss:$0x41] =	vst.msk $0xffff, v6  }
0xa4: {  	v6 =	vld.idx.msk [tilespmem:v0+s9+$0x30 ss:$0x1], $0xffff;
	[tilespmem:s16+$0x0 ss:$0x41] =	vst.msk $0xffff, v4  }
0xa5: {  	v8 =	vld.idx.msk [tilespmem:v0+s9+$0x40 ss:$0x1], $0xffff;
	[tilespmem:s28+$0x0 ss:$0x41] =	vst.msk $0xffff, v7  }
0xa6: {  	v7 =	vld.idx.msk [tilespmem:v0+s9+$0x50 ss:$0x1], $0xffff;
	[tilespmem:s4+$0x0 ss:$0x41] =	vst.msk $0xffff, v1  }
0xa7: {  	[tilespmem:s28+$0x0 ss:$0x41] =	vst.msk $0xffff, v2;
	v9 =	vld.idx.msk [tilespmem:v0+s9+$0x60 ss:$0x1], $0xffff  }
0xa8: {  	[tilespmem:s29+$0x0 ss:$0x41] =	vst.msk $0xffff, v3;
	v4 =	vld.idx.msk [tilespmem:v0+s17+$0x10 ss:$0x1], $0xffff  }
.Ltmp8:
0xa9: {  	[tilespmem:s30+$0x0 ss:$0x41] =	vst.msk $0xffff, v5;
	v1 =	vld.idx.msk [tilespmem:v0+s17+$0x20 ss:$0x1], $0xffff;
	(pc) =	sbr.rel @p2 .LBB1_6-.Ltmp8, $4  }
0xaa: {  	[tilespmem:s0+$0x0 ss:$0x41] =	vst.msk $0xffff, v6;
	v2 =	vld.idx.msk [tilespmem:v0+s17+$0x30 ss:$0x1], $0xffff  }
0xab: {  	[tilespmem:s31+$0x0 ss:$0x41] =	vst.msk $0xffff, v8;
	v3 =	vld.idx.msk [tilespmem:v0+s17+$0x40 ss:$0x1], $0xffff  }
0xac: {  	[tilespmem:s1+$0x0 ss:$0x41] =	vst.msk $0xffff, v7;
	v5 =	vld.idx.msk [tilespmem:v0+s17+$0x50 ss:$0x1], $0xffff  }
0xad: {  	s15 =	sadd.s32 $0x800, s15;
	[tilespmem:s8+$0x0 ss:$0x41] =	vst.msk $0xffff, v9;
	v6 =	vld.idx.msk [tilespmem:v0+s17+$0x60 ss:$0x1], $0xffff  }
.LBB1_7:
0xae: {  	_ =	sdelay $0x2  }
0xaf: {  	[tilespmem:s6+$0x0 ss:$0x41] =	vst.msk $0xffff, v4  }
0xb0: {  	v0 =	vld.idx.msk [tilespmem:v0+s17+$0x70 ss:$0x1], $0xffff;
	[tilespmem:s2+$0x0 ss:$0x41] =	vst.msk $0xffff, v1  }
0xb1: {  	[tilespmem:s5+$0x0 ss:$0x41] =	vst.msk $0xffff, v2  }
0xb2: {  	[tilespmem:s31+$0x0 ss:$0x41] =	vst.msk $0xffff, v3  }
0xb3: {  	[tilespmem:s3+$0x0 ss:$0x41] =	vst.msk $0xffff, v5  }
0xb4: {  	[tilespmem:s7+$0x0 ss:$0x41] =	vst.msk $0xffff, v6  }
0xb5: {  	[tilespmem:s16+$0x0 ss:$0x41] =	vst.msk $0xffff, v0  }
.LBB1_8:
.Ltmp9:
0xb6: {  	(pc) =	sbr.rel @p1 .LBB1_11-.Ltmp9, $1  }
0xb7: {  	_ =	sdelay $0x3  }
0xb8: {  	s1 =	sand.u32 $0x380, s26;
	s0 =	sshrl.u32 s24, $0x4;
	s2 =	sadd.s32 s27, s18  }
0xb9: {  	s3 =	smov.u32 s23;
	s4 =	smov.u32 s21;
	s1 =	sadd.s32 s1, s22  }
.LBB1_10:
0xba: {  	s5 =	sand.u32 $0x1C00, s3  }
0xbb: {  	s5 =	sadd.s32 s26, s5  }
0xbc: {  	s5 =	sand.u32 $0x1C00, s5  }
0xbd: {  	s6 =	sand.u32 $0x70, s4;
	s30 =	sadd.s32 s4, s0;
	s5 =	sadd.s32 s5, s1  }
0xbe: {  	s4 =	sadd.s32 $0x10, s4;
	s31 =	sand.u32 $0x78, s30;
	s5 =	sadd.s32 s6, s5  }
0xbf: {  	p2 =	slt.s32 s4, s20;
	v0 =	vld [tilespmem:s5+$0x0];
	s5 =	smul.u32 $0x104, s31  }
.Ltmp10:
0xc0: {  	_ = 	snop;
	(pc) =	sbr.rel @p2 .LBB1_10-.Ltmp10, $4  }
0xc1: {  	_ = 	snop  }
0xc2: {  	s5 =	sshrl.u32 s5, $0x2  }
0xc3: {  	s5 =	sadd.s32 s5, s2  }
0xc4: {  	s3 =	sadd.s32 $0x80, s3;
	[tilespmem:s5+$0x0 ss:$0x41] =	vst.msk $0xffff, v0  }
.Ltmp11:
0xc5: {  	_ = 	snop;
	(pc) =	sbr.rel .LBB1_11-.Ltmp11, $1  }
0xc6: {  	_ =	sdelay $0x3  }
.LBB1_14:
0xc7: {  	_ =	sfence.sel $0x180000  }
0xc8: {  	s0 =	simm.s32 $0x1;
	[bflag:$0x0] =	sbarrier.arrive $0xFFFF  }
0xc9: {  	s30 =	simm.s32 $0x2;
	[sflag:s0] =	ssyncpa.u1 $0x1  }
0xca: {  	[sflag:s30] =	ssyncpa.u1 $0x1  }
0xcb: {  	_ =	strace $0x9000004A  }
0xcc: {  	s31 =	stileid.u32;
	[bflag:$0x2] =	sbarrier.arrive $0xFFFF  }
0xcd: {  	p0 =	sne.s32 s31, $0x0;
	s0 =	rddreg [dreg:$0x1]  }
0xce: {  	s0 =	sadd.s32 @!p0 $0x100000, s0  }
0xcf: {  	[sflag:s0] =	ssyncadd.tile.s32 @!p0 $0x1;
	_ =	shalt  }
.Lfunc_end1:
_tile_overlayer_lowered:
.L_overlay_start_2:
0xd0: {  	(tag) =	ssettag $0x2  }
0xd1: {  	s0 =	rddreg [dreg:$0x0];
	s2 =	stileid.u32  }
0xd2: {  	s1 =	rddreg [dreg:$0x1];
	p0 =	sne.s32 s2, $0x0  }
0xd3: {  	s3 =	rddreg [dreg:$0x2];
	[bflag:$0x3] =	sbarrier.arrive $0xFFFF;
	s2 =	simm.s32 @!p0 $0x1C01  }
0xd4: {  	[timem:s3], [sflag:s2] =	dma.local @!p0 [hbm:s0], s1  }
0xd5: {  	s0 =	simm.s32 @!p0 $0x1  }
0xd6: {  	_ =	swait.ge @!p0 [sflag:s0], s1  }
0xd7: {  	s1 =	ssub.s32 @!p0 $0x0, s1;
	[sflag:s0] =	ssyncset.done @!p0 $0x0  }
0xd8: {  	[sflag:s0] =	ssyncadd.s32 @!p0 s1  }
0xd9: {  	[bflag:$0x3] =	sbarrier.arrive $0xFFFF  }
0xda: {  	_ =	shalt  }

// kernel: sparse-core-data-format-call.cloned.1.call-start
scs
called_computation_lowered:
.L_overlay_start_0:
0x0: {  	s1 =	sld [smem:$0x3FD9]  }
0x1: {  	s2 =	sld [smem:$0x3FFE];
	_ =	sdelay $0x1  }
0x2: {  	s3 =	srdreg.scid  }
0x3: {  	s0 =	sand.u32 $0x1, s3  }
0x4: {  	s17 =	sshll.u32 s0, $0xA;
	s1 =	sadd.s32 s2, s1  }
0x5: {  	s1 =	sadd.s32 s1, s17  }
0x6: {  	[smem:$0x3FC4] =	sst s1  }
0x7: {  	_ = 	snop  }
0x8: {  	(tm) =	ssettm $0x1  }
0x9: {  	s18 =	sld [smem:$0x3FFB];
	_ =	sdelay $0x3  }
0xa: {  	_ =	strace s18  }
0xb: {  	s1 =	sld [smem:$0x3FFC];
	_ =	sdelay $0x3  }
0xc: {  	_ =	strace s1  }
0xd: {  	s1 =	sld [smem:$0x3FFD];
	_ =	sdelay $0x3  }
0xe: {  	_ =	strace s1  }
0xf: {  	_ =	strace $0x8FFFFFFF  }
0x10: {  	s19 =	sld [smem:$0x3FDB];
	_ =	sdelay $0x1  }
0x11: {  	s20 =	simm.s32 $_scs_section_size  }
0x12: {  	s4 =	simm.s32 $_size__tile_overlayer_lowered;
	s5 =	simm.s32 $_tile_overlayer_lowered  }
0x13: {  	s23 =	simm.s32 $0x1BFF;
	s22 =	sshll.u32 s5, $0x1;
	s1 =	sadd.s32 s20, s19  }
0x14: {  	s6 =	simm.s32 $0x0;
	s21 =	sshll.u32 s4, $0x1;
	s4 =	sadd.s32 s22, s1  }
0x15: {  	[timem:s6], [sflag:s23] =	dma.local [hbm:s4], s21  }
0x16: {  	_ =	swait.ge [sflag:s23], s21  }
0x17: {  	s2 =	ssub.s32 $0x0, s21;
	[sflag:s23] =	ssyncset.done $0x0  }
0x18: {  	[sflag:s23] =	ssyncadd.s32 s2;
	_ =	sdelay $0x1  }
0x19: {  	s24 =	simm.s32 $0x1B8B  }
0x1a: {  	_ =	swait.ge [sflag:s24], $0x1  }
0x1b: {  	[sflag:s24] =	ssyncset.done $0x0  }
0x1c: {  	s26 =	simm.s32 $0x1B8E;
	s25 =	sld [smem:$0x3FFE];
	[sflag:s24] =	ssyncadd.s32 $0xFFFFFFFF  }
0x1d: {  	s27 =	simm.s32 $execute0_lowered;
	[smem:$0x3FD2] =	sst s26  }
0x1e: {  	s4 =	sshll.u32 s27, $0x1;
	_ =	strace $0x80000046;
	[dreg:$0x1] =	wrdreg $0xFFFFFFFF  }
0x1f: {  	s28 =	simm.s32 $_size_execute0_lowered;
	s1 =	sadd.s32 s1, s4;
	[dreg:$0x0] =	wrdreg $0x0  }
0x20: {  	s4 =	sshll.u32 s28, $0x1;
	[dreg:$0x2] =	wrdreg s1  }
0x21: {  	[dreg:$0x3] =	wrdreg s4  }
0x22: {  	[dreg:$0x4] =	wrdreg $0xC0  }
0x23: {  	_ =	task [dreg:s6], $0x5FFFF  }
0x24: {  	[dreg:$0x1] =	wrdreg $0xFFFFFFFF  }
0x25: {  	[dreg:$0x0] =	wrdreg $0x60  }
0x26: {  	[dreg:$0x2] =	wrdreg s25  }
0x27: {  	[dreg:$0x3] =	wrdreg $0x9  }
0x28: {  	_ =	task.clear_ibuf [dreg:s6], $0x4FFFF;
	_ =	strace $0x90000046  }
0x29: {  	s29 =	simm.s32 $0x9;
	_ =	strace $0x80000048  }
0x2a: {  	_ =	swait.ge [sflag:s29], $0x1  }
0x2b: {  	[sflag:s29] =	ssyncadd.s32 $0xFFFFFFFF  }
0x2c: {  	_ =	strace $0x90000048  }
0x2d: {  	_ =	sfence  }
0x2e: {  	s30 =	sld [smem:$0x0];
	_ =	sdelay $0x2  }
0x2f: {  	s31 =	sshll.u32 s3, $0xD;
	s3 =	sshrl.u32 s3, $0x2  }
0x30: {  	s2 =	sand.u32 $0x4000, s31;
	s1 =	sadd.s32 s3, s30  }
0x31: {  	s0 =	sor.u32 s2, s0;
	s1 =	sshll.u32 s1, $0x11  }
0x32: {  	s0 =	sor.u32 s1, s0  }
0x33: {  	s0 =	sadd.s32 $0x8F2B, s0  }
0x34: {  	[sflag:s0] =	ssyncadd.remote.s32 $0x1  }
0x35: {  	_ =	sfence.sel $0xFFFF  }
0x36: {  	[dreg:$0x0] =	wrdreg $0xFFFFFFFF;
	(pc) =	sbr.abs _section_cstart, $3  }
0x37: {  	[dreg:$0x1] =	wrdreg $0xFFFFFFFF  }
0x38: {  	_ =	task.clear_ibuf [dreg:s6], $0x2FFFF;
	_ =	strace $0x9FFFFFFF  }
0x39: {  	(tm) =	ssettm $0x7FFFFFFF  }
tec
execute0_lowered:
.L_overlay_start_1:
0x0: {  	(tag) =	ssettag $0x1  }
0x1: {  	s0 =	srdreg.scid;
	s1 =	rddreg [dreg:$0x0]  }
0x2: {  	s2 =	stileid.u32;
	_ =	strace $0x80000047;
	s29 =	simm.s32 $0x1  }
0x3: {  	s31 =	simm.s32 $0x2;
	s14 =	simm.s32 $0x0;
	s0 =	sshll.u32 s0, $0x4  }
0x4: {  	s9 =	simm.s32 $0x0;
	s8 =	simm.s32 $0x0;
	s0 =	sand.u32 $0x10, s0  }
0x5: {  	s27 =	sadd.s32 $0x7A2200, s1;
	s28 =	sadd.s32 $0xD5B200, s1;
	s0 =	sor.u32 s2, s0  }
.Ltmp0:
0x6: {  	[dreg:$0x2] =	wrdreg s27;
	s10 =	sshll.u32 s0, $0x7;
	(pc) =	sbr.rel .LBB1_1-.Ltmp0, $4  }
0x7: {  	s11 =	simm.s32 $0x0;
	[dreg:$0x4] =	wrdreg s28;
	s30 =	ssub.s32 $0xF4200, s10  }
0x8: {  	s12 =	simm.s32 $0x0;
	[dreg:$0x3] =	wrdreg s10;
	s0 =	sshrl.u32 s30, $0xC  }
0x9: {  	[sflag:s29] =	ssyncpa.u1 $0x0;
	[dreg:$0x5] =	wrdreg s0;
	s7 =	sadd.s32 $0x2, s0  }
0xa: {  	s13 =	simm.s32 $0x0;
	[sflag:s31] =	ssyncpa.u1 $0x0;
	[dreg:$0x6] =	wrdreg s7  }
.LBB1_12:
0xb: {  	s8 =	rddreg [dreg:$0x7]  }
0xc: {  	s4 =	rddreg [dreg:$0xb]  }
0xd: {  	s1 =	sshll.u32 s11, $0x3;
	s24 =	rddreg [dreg:$0xa]  }
0xe: {  	s3 =	smov.u32 s11;
	s27 =	sshrl.u32 s11, $0x3;
	s29 =	rddreg [dreg:$0x4]  }
0xf: {  	s28 =	sand.u32 $0x7, s11;
	s7 =	rddreg [dreg:$0x6];
	s0 =	sshll.u32 s8, $0x7  }
0x10: {  	s1 =	sand.u32 $0xFFFFFC00, s1;
	p0 =	sgt.s32 s8, $0xF41C0;
	s2 =	sand.u32 $0xFFFFFC00, s0  }
0x11: {  	s0 =	sand.u32 $0x380, s0;
	s1 =	sadd.s32 s1, s2;
	s2 =	smov.u32 s8  }
0x12: {  	s9 =	rddreg [dreg:$0x8];
	s0 =	sor.u32 s0, s1;
	s2 =	simm.s32 @!p0 $0xF41C0  }
0x13: {  	p0 =	sgt.s32 s11, $0x40;
	s0 =	sshrl.u32 s0, $0x7;
	s2 =	sadd.s32 s4, s2  }
0x14: {  	s3 =	simm.s32 @!p0 $0x40;
	s23 =	smulhi.u32 $0x218DEF5, s0;
	s25 =	sadd.s32 $0xFFF0BE40, s2  }
0x15: {  	s3 =	sadd.s32 s24, s3;
	s2 =	ssub.s32 $0xF4240, s2;
	p0 =	sgt.s32 s25, $0x7F  }
0x16: {  	s26 =	sadd.s32 $0xFFFFFFC0, s3;
	s3 =	ssub.s32 $0x80, s3;
	s1 =	sshrl.u32 s23, $0xD  }
0x17: {  	s2 =	simm.s32 @p0 $0x0;
	p0 =	sgt.s32 s26, $0x3F;
	s1 =	smul.u32 $0xF4240, s1  }
0x18: {  	s31 =	simm.s32 $0x80;
	s14 =	rddreg [dreg:$0x9];
	s3 =	simm.s32 @p0 $0x0  }
0x19: {  	s2 =	smul.u32 s3, s2;
	s0 =	ssub.s32 s0, s1;
	s1 =	sand.u32 $0xF, s27  }
0x1a: {  	s3 =	sshll.u32 s28, $0x12;
	s0 =	sshll.u32 s0, $0x4;
	s1 =	sadd.s32 s29, s1  }
0x1b: {  	s30 =	sor.u32 $0x40, s3;
	s2 =	sand.u32 $0x3FFFFFFF, s2;
	s0 =	sadd.s32 s0, s1  }
0x1c: {  	[hbm4b:s0+s30] =	stream.strided.scatter [tilespmem:s18], [sflag:$0x2], s2, s31, s30, $0x18;
	[tilespmem:$0x8100] =	vst v63  }
.LBB1_13:
0x1d: {  	p0 =	slt.u32 s13, $0x2  }
0x1e: {  	s1 =	smov.u32 s14;
	s2 =	smov.u32 s9;
	p1 =	sgt.s32 @!p0 s14, $0xF41C0  }
0x1f: {  	s0 =	sshra.s32 @!p0 s14, $0x1F;
	p2 =	sgt.s32 @!p0 s9, $0x40;
	s3 =	sshra.s32 @!p0 s9, $0x1F  }
0x20: {  	p1 =	por !p1, p0;
	s0 =	sand.u32 @!p0 s0, s14;
	p2 =	por !p2, p0  }
0x21: {  	s3 =	sand.u32 @!p0 s3, s9;
	s1 =	simm.s32 @p1 $0xF41C0;
	s2 =	simm.s32 @p2 $0x40  }
0x22: {  	s0 =	ssub.s32 @!p0 s1, s0;
	s1 =	ssub.s32 @!p0 s2, s3  }
0x23: {  	s2 =	sadd.s32 @!p0 $0xFFF0BE40, s0;
	s3 =	sadd.s32 @!p0 $0xFFFFFFC0, s1  }
0x24: {  	s0 =	ssub.s32 @!p0 $0xF4240, s0;
	p1 =	sgt.s32 @!p0 s2, $0x7F;
	p2 =	sgt.s32 @!p0 s3, $0x3F  }
0x25: {  	s1 =	ssub.s32 @!p0 $0x80, s1;
	p1 =	por !p1, p0;
	p2 =	por !p2, p0  }
0x26: {  	s0 =	simm.s32 @!p1 $0x0;
	s1 =	simm.s32 @!p2 $0x0  }
0x27: {  	s0 =	smul.u32 @!p0 s1, s0  }
0x28: {  	s4 =	smov.u32 s12  }
0x29: {  	s2 =	simm.s32 @!p0 $0x2;
	s1 =	sadd.s32 $0x1000, s10;
	s0 =	sand.u32 @!p0 $0x3FFFFFFF, s0  }
0x2a: {  	s3 =	sadd.s32 $0x40, s12;
	p1 =	sgt.s32 s1, $0xF423F;
	_ =	swait.ge @!p0 [sflag:s2], s0  }
0x2b: {  	s4 =	smov.u32 @p1 s3;
	s3 =	rddreg [dreg:$0x3]  }
0x2c: {  	s1 =	smov.u32 @p1 s3;
	p1 =	sgt.s32 s4, $0x2F  }
0x2d: {  	s4 =	simm.s32 @p1 $0x0;
	p1 =	sne.s32 s13, s7  }
.Ltmp1:
0x2e: {  	_ = 	snop;
	(pc) =	sbr.rel @!p1 .LBB1_14-.Ltmp1, $4  }
0x2f: {  	s14 =	smov.u32 s8  }
0x30: {  	s9 =	smov.u32 s11;
	s0 =	ssub.s32 @!p0 $0x0, s0;
	[sflag:s2] =	ssyncset.done @!p0 $0x0  }
0x31: {  	s8 =	smov.u32 s10;
	s11 =	smov.u32 s12;
	[sflag:s2] =	ssyncadd.s32 @!p0 s0  }
0x32: {  	s13 =	sadd.s32 $0x1, s13;
	s10 =	smov.u32 s1;
	s12 =	smov.u32 s4  }
.LBB1_1:
0x33: {  	s0 =	rddreg [dreg:$0x5]  }
0x34: {  	p0 =	sgt.u32 s13, s0  }
0x35: {  	s0 =	sshrl.u32 @!p0 s12, $0x3  }
0x36: {  	s1 =	sshll.u32 @!p0 s10, $0x3;
	s0 =	smul.u32 @!p0 $0x7A1400, s0  }
0x37: {  	s5 =	smov.u32 s10;
	s2 =	sshll.u32 @!p0 s12, $0x7;
	s1 =	sand.u32 @!p0 $0xFFFFFC00, s1  }
0x38: {  	s3 =	sand.u32 @!p0 $0x7F, s10;
	s0 =	sadd.s32 @!p0 s0, s1;
	s1 =	sand.u32 @!p0 $0x380, s2  }
0x39: {  	p1 =	sgt.s32 @!p0 s12, $0xFFFFFFF0;
	s4 =	sshra.s32 @!p0 s12, $0x1F;
	s0 =	sor.u32 @!p0 s1, s0  }
0x3a: {  	s6 =	sshra.s32 @!p0 s10, $0x1F;
	p1 =	por !p1, p0;
	s1 =	smulhi.u32 @!p0 $0x218D6287, s0  }
0x3b: {  	s4 =	sand.u32 @!p0 s4, s12;
	s0 =	sor.u32 @!p0 s3, s0;
	s3 =	smov.u32 s12  }
0x3c: {  	s3 =	simm.s32 @p1 $0xFFFFFFF0;
	p1 =	sgt.s32 @!p0 s10, $0xF4200;
	s1 =	sshrl.u32 @!p0 s1, $0x11  }
0x3d: {  	p1 =	por !p1, p0;
	s3 =	ssub.s32 @!p0 s3, s4;
	s2 =	smul.u32 @!p0 $0xAAB, s1  }
0x3e: {  	s4 =	sand.u32 @!p0 s6, s10;
	s6 =	smulhi.u32 @!p0 $0x218D6287, s0;
	s5 =	simm.s32 @p1 $0xF4200  }
0x3f: {  	s4 =	ssub.s32 @!p0 s5, s4;
	s5 =	sadd.s32 @!p0 $0x10, s3;
	s2 =	sshrl.u32 @!p0 s2, $0x11  }
0x40: {  	p1 =	sgt.s32 @!p0 s5, $0x3F;
	s5 =	sshrl.u32 @!p0 s6, $0x11;
	s2 =	smul.u32 @!p0 $0x30, s2  }
0x41: {  	s3 =	ssub.s32 @!p0 $0x30, s3;
	s5 =	smul.u32 @!p0 $0xF4280, s5  }
0x42: {  	p1 =	por !p1, p0;
	s1 =	ssub.s32 @!p0 s1, s2;
	s2 =	sadd.s32 @!p0 $0xFFF0BE00, s4  }
0x43: {  	s3 =	simm.s32 @!p1 $0x0;
	s4 =	ssub.s32 @!p0 $0xF4280, s4;
	p2 =	sgt.s32 @!p0 s2, $0x7F  }
0x44: {  	s0 =	ssub.s32 @!p0 s0, s5;
	s1 =	sand.u32 @!p0 $0xFFFF, s1;
	p2 =	por !p2, p0  }
0x45: {  	s2 =	sxor.u32 @!p0 $0xFFFFFFFF, s13;
	s1 =	smul.u32 @!p0 $0x1E850, s1;
	s4 =	simm.s32 @!p2 $0x0  }
0x46: {  	s5 =	rddreg [dreg:$0x2];
	s2 =	sshll.u32 @!p0 s2, $0xD;
	s3 =	smul.u32 @!p0 s3, s4  }
0x47: {  	s2 =	sand.u32 @!p0 $0x2000, s2;
	s4 =	sshrl.u32 @!p0 s0, $0x3;
	s0 =	sand.u32 @!p0 $0x7, s0  }
0x48: {  	s4 =	sadd.s32 @!p0 s5, s4;
	s0 =	sshll.u32 @!p0 s0, $0x12;
	s3 =	sand.u32 @!p0 $0x3FFFFFFF, s3  }
0x49: {  	s1 =	sadd.s32 @!p0 s1, s4;
	s0 =	sor.u32 @!p0 $0x400, s0;
	s4 =	simm.s32 @!p0 $0x7A1400  }
0x4a: {  	[tilespmem:s2], [sflag:$0x1] =	stream.strided.gather @!p0 [hbm4b:s1+s0], s3, s4, s0, $0x38;
	[tilespmem:$0x8100] =	vst v63  }
0x4b: {  	p0 =	seq.s32 s13, $0x0  }
0x4c: {  	p1 =	sge.u32 @!p0 s13, s7  }
0x4d: {  	p0 =	por p0, p1  }
.Ltmp2:
0x4e: {  	_ = 	snop;
	(pc) =	sbr.rel @p0 .LBB1_13-.Ltmp2, $1  }
0x4f: {  	_ =	sdelay $0x3  }
0x50: {  	s0 =	ssub.s32 $0x0, s11;
	s1 =	sshra.s32 s11, $0x1F;
	p0 =	sgt.s32 s11, $0xFFFFFFF0  }
0x51: {  	s2 =	smov.u32 s11;
	s25 =	ssub.s32 $0x0, s8;
	s26 =	sshra.s32 s8, $0x1F  }
0x52: {  	s3 =	smov.u32 s8;
	s2 =	simm.s32 @!p0 $0xFFFFFFF0;
	p0 =	sgt.s32 s8, $0xF4200  }
0x53: {  	s4 =	sand.u32 s0, s1;
	s1 =	sand.u32 s25, s26;
	s3 =	simm.s32 @!p0 $0xF4200  }
0x54: {  	s2 =	sadd.s32 s4, s2;
	[dreg:$0xb] =	wrdreg s1;
	s1 =	sadd.s32 s1, s3  }
0x55: {  	s27 =	sadd.s32 $0x10, s2;
	s2 =	ssub.s32 $0x30, s2;
	s28 =	sadd.s32 $0xFFF0BE00, s1  }
0x56: {  	p0 =	sgt.s32 s27, $0x3F;
	s0 =	ssub.s32 $0xF4280, s1;
	p1 =	sgt.s32 s28, $0x7F  }
0x57: {  	s2 =	simm.s32 @p0 $0x0;
	s0 =	simm.s32 @p1 $0x0  }
0x58: {  	s29 =	smul.u32 s2, s0;
	s2 =	sadd.s32 $0x40, s11  }
0x59: {  	p0 =	slt.s32 s2, $0x30  }
0x5a: {  	s2 =	simm.s32 @!p0 $0x30  }
0x5b: {  	[dreg:$0x9] =	wrdreg s14;
	s19 =	ssub.s32 s2, s11  }
0x5c: {  	[dreg:$0x8] =	wrdreg s9;
	p0 =	slt.s32 s19, $0x1  }
.Ltmp3:
0x5d: {  	[dreg:$0x7] =	wrdreg s8;
	s30 =	simm.s32 $0x1;
	(pc) =	sbr.rel @p0 .LBB1_12-.Ltmp3, $4  }
0x5e: {  	[dreg:$0xa] =	wrdreg s4;
	s0 =	sand.u32 $0x1, s13;
	s1 =	sand.u32 $0x3FFFFFFF, s29  }
0x5f: {  	s31 =	smul.u32 $0x2080, s0;
	_ =	swait.ge [sflag:s30], s1  }
0x60: {  	s1 =	ssub.s32 $0x0, s1;
	[sflag:s30] =	ssyncset.done $0x0  }
0x61: {  	s18 =	sor.u32 $0x4000, s31;
	[sflag:s30] =	ssyncadd.s32 s1  }
0x62: {  	s2 =	rddreg [dreg:$0x7]  }
0x63: {  	s1 =	sadd.s32 $0x80, s2  }
0x64: {  	p0 =	slt.s32 s1, $0xF4240  }
.Ltmp4:
0x65: {  	s1 =	simm.s32 @!p0 $0xF4240;
	(pc) =	sbr.rel .LBB1_4-.Ltmp4, $4  }
0x66: {  	s22 =	sshll.u32 s0, $0xD;
	s1 =	ssub.s32 s1, s2  }
0x67: {  	s24 =	simm.s32 $0x0;
	s25 =	simm.s32 $0x400;
	s1 =	sadd.s32 $0xF, s1  }
0x68: {  	s20 =	sand.u32 $0xFFFFFFF0, s1;
	s21 =	sand.u32 $0xFFFFFF00, s1;
	s31 =	sshll.u32 s1, $0x3  }
0x69: {  	p0 =	slt.s32 s1, $0x100;
	s23 =	sand.u32 $0xFFFFF800, s31;
	p1 =	sge.s32 s21, s20  }
.LBB1_11:
0x6a: {  	s24 =	sadd.s32 $0x1, s24  }
0x6b: {  	p2 =	sne.s32 s24, s19  }
.Ltmp5:
0x6c: {  	_ = 	snop;
	(pc) =	sbr.rel @!p2 .LBB1_12-.Ltmp5, $2  }
0x6d: {  	_ =	sdelay $0x2  }
0x6e: {  	s25 =	sadd.s32 $0x80, s25  }
.LBB1_4:
.Ltmp6:
0x6f: {  	(pc) =	sbr.rel @p0 .LBB1_8-.Ltmp6, $2  }
0x70: {  	_ =	sdelay $0x2  }
0x71: {  	s26 =	sshll.u32 s24, $0x7;
	s27 =	sand.u32 $0x7F, s24  }
0x72: {  	s1 =	sshll.u32 s24, $0x3  }
0x73: {  	s5 =	sand.u32 $0x380, s26;
	s2 =	sshrl.u32 s1, $0x7  }
0x74: {  	s3 =	sadd.s32 $0x800, s1;
	s6 =	sadd.s32 $0x1000, s1;
	s17 =	sadd.s32 s5, s22  }
0x75: {  	s9 =	sadd.s32 $0x1800, s1;
	s16 =	sadd.s32 $0x2800, s1;
	s7 =	sadd.s32 $0x3000, s1  }
0x76: {  	s1 =	sadd.s32 $0x3800, s1;
	s0 =	sand.u32 $0x78, s2;
	s3 =	sshrl.u32 s3, $0x7  }
0x77: {  	s8 =	sshrl.u32 s6, $0x7;
	s6 =	sshrl.u32 s9, $0x7;
	s9 =	sshrl.u32 s1, $0x7  }
0x78: {  	v0 =	vmov s17;
	s17 =	sand.u32 $0x1C00, s25;
	s4 =	smul.u32 $0x104, s0;
	s3 =	sand.u32 $0x78, s3  }
0x79: {  	s5 =	sand.u32 $0x78, s8;
	s14 =	sand.u32 $0x78, s6;
	s3 =	smul.u32 $0x104, s3  }
0x7a: {  	s0 =	sxor.u32 $0x40, s0;
	s5 =	smul.u32 $0x104, s5;
	s4 =	sshrl.u32 s4, $0x2  }
0x7b: {  	s8 =	sshrl.u32 s7, $0x7;
	s0 =	smul.u32 $0x104, s0;
	s4 =	sadd.s32 s4, s18  }
0x7c: {  	s3 =	sshrl.u32 s3, $0x2;
	s15 =	sshrl.u32 s5, $0x2;
	s5 =	sshrl.u32 s16, $0x7  }
0x7d: {  	s0 =	sshrl.u32 s0, $0x2;
	s16 =	sadd.s32 $0x20, s2;
	s3 =	sadd.s32 s3, s18  }
0x7e: {  	s28 =	sadd.s32 s27, s4;
	s4 =	sadd.s32 s15, s18;
	s6 =	sadd.s32 s0, s18  }
0x7f: {  	s15 =	sadd.s32 $0x10, s2;
	s7 =	sand.u32 $0x78, s16;
	s16 =	sadd.s32 $0x30, s2  }
0x80: {  	s29 =	sadd.s32 s27, s3;
	s3 =	smul.u32 $0x104, s14;
	s30 =	sadd.s32 s27, s4  }
0x81: {  	s4 =	sand.u32 $0x78, s5;
	s31 =	sadd.s32 s27, s6;
	s6 =	smul.u32 $0x104, s7  }
0x82: {  	s5 =	sand.u32 $0x78, s15;
	s7 =	sadd.s32 $0x50, s2;
	s4 =	smul.u32 $0x104, s4  }
0x83: {  	s14 =	sand.u32 $0x78, s9;
	s5 =	smul.u32 $0x104, s5;
	s7 =	sand.u32 $0x78, s7  }
0x84: {  	s3 =	sshrl.u32 s3, $0x2;
	s6 =	sshrl.u32 s6, $0x2;
	s7 =	smul.u32 $0x104, s7  }
0x85: {  	s3 =	sadd.s32 s3, s18;
	s4 =	sshrl.u32 s4, $0x2;
	s5 =	sshrl.u32 s5, $0x2  }
0x86: {  	s15 =	sadd.s32 s6, s18;
	s0 =	sadd.s32 s27, s3;
	s3 =	sand.u32 $0x78, s8  }
0x87: {  	s4 =	sadd.s32 s4, s18;
	s9 =	sadd.s32 s5, s18;
	s5 =	sand.u32 $0x78, s16  }
0x88: {  	s7 =	sshrl.u32 s7, $0x2;
	s3 =	smul.u32 $0x104, s3;
	s1 =	sadd.s32 s27, s4  }
0x89: {  	s4 =	smul.u32 $0x104, s14;
	s14 =	sadd.s32 $0x60, s2;
	s2 =	sadd.s32 $0x70, s2  }
0x8a: {  	s6 =	sadd.s32 s27, s9;
	s14 =	sand.u32 $0x78, s14;
	s2 =	sand.u32 $0x78, s2  }
0x8b: {  	v1 =	vld.idx.msk [tilespmem:v0+s17+$0x0 ss:$0x1], $0xffff;
	s3 =	sshrl.u32 s3, $0x2;
	s4 =	sshrl.u32 s4, $0x2;
	s14 =	smul.u32 $0x104, s14  }
0x8c: {  	s16 =	smul.u32 $0x104, s2;
	s2 =	sadd.s32 s27, s15;
	s3 =	sadd.s32 s3, s18  }
0x8d: {  	s8 =	sadd.s32 s27, s3;
	s3 =	sadd.s32 s4, s18;
	s15 =	sshrl.u32 s14, $0x2  }
0x8e: {  	s9 =	sshrl.u32 s16, $0x2;
	s4 =	sadd.s32 s27, s3;
	s3 =	sadd.s32 s7, s18  }
0x8f: {  	s7 =	sadd.s32 s15, s18;
	s14 =	sadd.s32 s9, s18;
	s15 =	sadd.s32 $0xFFFFFC00, s25  }
0x90: {  	[tilespmem:s28+$0x0 ss:$0x41] =	vst.msk $0xffff, v1;
	v1 =	vld.idx.msk [tilespmem:v0+s17+$0x20 ss:$0x1], $0xffff;
	s16 =	sadd.s32 s27, s14;
	s14 =	sand.u32 $0x1C00, s15  }
0x91: {  	v2 =	vld.idx.msk [tilespmem:v0+s14+$0x70 ss:$0x1], $0xffff  }
0x92: {  	v3 =	vld.idx.msk [tilespmem:v0+s14+$0x0 ss:$0x1], $0xffff  }
0x93: {  	v4 =	vld.idx.msk [tilespmem:v0+s14+$0x10 ss:$0x1], $0xffff  }
0x94: {  	v5 =	vld.idx.msk [tilespmem:v0+s14+$0x20 ss:$0x1], $0xffff  }
0x95: {  	v6 =	vld.idx.msk [tilespmem:v0+s14+$0x30 ss:$0x1], $0xffff  }
0x96: {  	v7 =	vld.idx.msk [tilespmem:v0+s14+$0x40 ss:$0x1], $0xffff;
	[tilespmem:s4+$0x0 ss:$0x41] =	vst.msk $0xffff, v2  }
0x97: {  	v8 =	vld.idx.msk [tilespmem:v0+s14+$0x50 ss:$0x1], $0xffff;
	[tilespmem:s28+$0x0 ss:$0x41] =	vst.msk $0xffff, v3  }
0x98: {  	p2 =	sgt.s32 s21, $0x100;
	s5 =	smul.u32 $0x104, s5;
	v9 =	vld.idx.msk [tilespmem:v0+s14+$0x60 ss:$0x1], $0xffff;
	[tilespmem:s29+$0x0 ss:$0x41] =	vst.msk $0xffff, v4  }
.Ltmp7:
0x99: {  	v4 =	vld.idx.msk [tilespmem:v0+s17+$0x10 ss:$0x1], $0xffff;
	[tilespmem:s30+$0x0 ss:$0x41] =	vst.msk $0xffff, v5;
	(pc) =	sbr.rel @!p2 .LBB1_7-.Ltmp7, $4  }
0x9a: {  	s5 =	sshrl.u32 s5, $0x2;
	[tilespmem:s0+$0x0 ss:$0x41] =	vst.msk $0xffff, v6;
	v2 =	vld.idx.msk [tilespmem:v0+s17+$0x30 ss:$0x1], $0xffff  }
0x9b: {  	s5 =	sadd.s32 s5, s18;
	[tilespmem:s31+$0x0 ss:$0x41] =	vst.msk $0xffff, v7;
	v3 =	vld.idx.msk [tilespmem:v0+s17+$0x40 ss:$0x1], $0xffff  }
0x9c: {  	s5 =	sadd.s32 s27, s5;
	s3 =	sadd.s32 s27, s3;
	[tilespmem:s1+$0x0 ss:$0x41] =	vst.msk $0xffff, v8;
	v5 =	vld.idx.msk [tilespmem:v0+s17+$0x50 ss:$0x1], $0xffff  }
0x9d: {  	s7 =	sadd.s32 s27, s7;
	s15 =	sadd.s32 $0x800, s25;
	s14 =	simm.s32 $0x100;
	[tilespmem:s8+$0x0 ss:$0x41] =	vst.msk $0xffff, v9;
	v6 =	vld.idx.msk [tilespmem:v0+s17+$0x60 ss:$0x1], $0xffff  }
.LBB1_6:
0x9e: {  	s9 =	sadd.s32 $0xFFFFFC00, s15;
	s14 =	sadd.s32 $0x100, s14;
	[tilespmem:s6+$0x0 ss:$0x41] =	vst.msk $0xffff, v4;
	v4 =	vld.idx.msk [tilespmem:v0+s17+$0x70 ss:$0x1], $0xffff;
	s17 =	sand.u32 $0x1C00, s15  }
0x9f: {  	s9 =	sand.u32 $0x1C00, s9;
	v7 =	vld.idx.msk [tilespmem:v0+s17+$0x0 ss:$0x1], $0xffff;
	p2 =	slt.s32 s14, s21;
	[tilespmem:s2+$0x0 ss:$0x41] =	vst.msk $0xffff, v1  }
0xa0: {  	v1 =	vld.idx.msk [tilespmem:v0+s9+$0x70 ss:$0x1], $0xffff;
	[tilespmem:s5+$0x0 ss:$0x41] =	vst.msk $0xffff, v2  }
0xa1: {  	v2 =	vld.idx.msk [tilespmem:v0+s9+$0x0 ss:$0x1], $0xffff;
	[tilespmem:s31+$0x0 ss:$0x41] =	vst.msk $0xffff, v3  }
0xa2: {  	v3 =	vld.idx.msk [tilespmem:v0+s9+$0x10 ss:$0x1], $0xffff;
	[tilespmem:s3+$0x0 ss:$0x41] =	vst.msk $0xffff, v5  }
0xa3: {  	v5 =	vld.idx.msk [tilespmem:v0+s9+$0x20 ss:$0x1], $0xffff;
	[tilespmem:s7+$0x0 ss:$0x41] =	vst.msk $0xffff, v6  }
0xa4: {  	v6 =	vld.idx.msk [tilespmem:v0+s9+$0x30 ss:$0x1], $0xffff;
	[tilespmem:s16+$0x0 ss:$0x41] =	vst.msk $0xffff, v4  }
0xa5: {  	v8 =	vld.idx.msk [tilespmem:v0+s9+$0x40 ss:$0x1], $0xffff;
	[tilespmem:s28+$0x0 ss:$0x41] =	vst.msk $0xffff, v7  }
0xa6: {  	v7 =	vld.idx.msk [tilespmem:v0+s9+$0x50 ss:$0x1], $0xffff;
	[tilespmem:s4+$0x0 ss:$0x41] =	vst.msk $0xffff, v1  }
0xa7: {  	[tilespmem:s28+$0x0 ss:$0x41] =	vst.msk $0xffff, v2;
	v9 =	vld.idx.msk [tilespmem:v0+s9+$0x60 ss:$0x1], $0xffff  }
0xa8: {  	[tilespmem:s29+$0x0 ss:$0x41] =	vst.msk $0xffff, v3;
	v4 =	vld.idx.msk [tilespmem:v0+s17+$0x10 ss:$0x1], $0xffff  }
.Ltmp8:
0xa9: {  	[tilespmem:s30+$0x0 ss:$0x41] =	vst.msk $0xffff, v5;
	v1 =	vld.idx.msk [tilespmem:v0+s17+$0x20 ss:$0x1], $0xffff;
	(pc) =	sbr.rel @p2 .LBB1_6-.Ltmp8, $4  }
0xaa: {  	[tilespmem:s0+$0x0 ss:$0x41] =	vst.msk $0xffff, v6;
	v2 =	vld.idx.msk [tilespmem:v0+s17+$0x30 ss:$0x1], $0xffff  }
0xab: {  	[tilespmem:s31+$0x0 ss:$0x41] =	vst.msk $0xffff, v8;
	v3 =	vld.idx.msk [tilespmem:v0+s17+$0x40 ss:$0x1], $0xffff  }
0xac: {  	[tilespmem:s1+$0x0 ss:$0x41] =	vst.msk $0xffff, v7;
	v5 =	vld.idx.msk [tilespmem:v0+s17+$0x50 ss:$0x1], $0xffff  }
0xad: {  	s15 =	sadd.s32 $0x800, s15;
	[tilespmem:s8+$0x0 ss:$0x41] =	vst.msk $0xffff, v9;
	v6 =	vld.idx.msk [tilespmem:v0+s17+$0x60 ss:$0x1], $0xffff  }
.LBB1_7:
0xae: {  	_ =	sdelay $0x2  }
0xaf: {  	[tilespmem:s6+$0x0 ss:$0x41] =	vst.msk $0xffff, v4  }
0xb0: {  	v0 =	vld.idx.msk [tilespmem:v0+s17+$0x70 ss:$0x1], $0xffff;
	[tilespmem:s2+$0x0 ss:$0x41] =	vst.msk $0xffff, v1  }
0xb1: {  	[tilespmem:s5+$0x0 ss:$0x41] =	vst.msk $0xffff, v2  }
0xb2: {  	[tilespmem:s31+$0x0 ss:$0x41] =	vst.msk $0xffff, v3  }
0xb3: {  	[tilespmem:s3+$0x0 ss:$0x41] =	vst.msk $0xffff, v5  }
0xb4: {  	[tilespmem:s7+$0x0 ss:$0x41] =	vst.msk $0xffff, v6  }
0xb5: {  	[tilespmem:s16+$0x0 ss:$0x41] =	vst.msk $0xffff, v0  }
.LBB1_8:
.Ltmp9:
0xb6: {  	(pc) =	sbr.rel @p1 .LBB1_11-.Ltmp9, $1  }
0xb7: {  	_ =	sdelay $0x3  }
0xb8: {  	s1 =	sand.u32 $0x380, s26;
	s0 =	sshrl.u32 s24, $0x4;
	s2 =	sadd.s32 s27, s18  }
0xb9: {  	s3 =	smov.u32 s23;
	s4 =	smov.u32 s21;
	s1 =	sadd.s32 s1, s22  }
.LBB1_10:
0xba: {  	s5 =	sand.u32 $0x1C00, s3  }
0xbb: {  	s5 =	sadd.s32 s26, s5  }
0xbc: {  	s5 =	sand.u32 $0x1C00, s5  }
0xbd: {  	s6 =	sand.u32 $0x70, s4;
	s30 =	sadd.s32 s4, s0;
	s5 =	sadd.s32 s5, s1  }
0xbe: {  	s4 =	sadd.s32 $0x10, s4;
	s31 =	sand.u32 $0x78, s30;
	s5 =	sadd.s32 s6, s5  }
0xbf: {  	p2 =	slt.s32 s4, s20;
	v0 =	vld [tilespmem:s5+$0x0];
	s5 =	smul.u32 $0x104, s31  }
.Ltmp10:
0xc0: {  	_ = 	snop;
	(pc) =	sbr.rel @p2 .LBB1_10-.Ltmp10, $4  }
0xc1: {  	_ = 	snop  }
0xc2: {  	s5 =	sshrl.u32 s5, $0x2  }
0xc3: {  	s5 =	sadd.s32 s5, s2  }
0xc4: {  	s3 =	sadd.s32 $0x80, s3;
	[tilespmem:s5+$0x0 ss:$0x41] =	vst.msk $0xffff, v0  }
.Ltmp11:
0xc5: {  	_ = 	snop;
	(pc) =	sbr.rel .LBB1_11-.Ltmp11, $1  }
0xc6: {  	_ =	sdelay $0x3  }
.LBB1_14:
0xc7: {  	_ =	sfence.sel $0x180000  }
0xc8: {  	s0 =	simm.s32 $0x1;
	[bflag:$0x0] =	sbarrier.arrive $0xFFFF  }
0xc9: {  	s30 =	simm.s32 $0x2;
	[sflag:s0] =	ssyncpa.u1 $0x1  }
0xca: {  	[sflag:s30] =	ssyncpa.u1 $0x1  }
0xcb: {  	_ =	strace $0x90000047  }
0xcc: {  	s31 =	stileid.u32;
	[bflag:$0x2] =	sbarrier.arrive $0xFFFF  }
0xcd: {  	p0 =	sne.s32 s31, $0x0;
	s0 =	rddreg [dreg:$0x1]  }
0xce: {  	s0 =	sadd.s32 @!p0 $0x100000, s0  }
0xcf: {  	[sflag:s0] =	ssyncadd.tile.s32 @!p0 $0x1;
	_ =	shalt  }
.Lfunc_end1:
_tile_overlayer_lowered:
.L_overlay_start_2:
0xd0: {  	(tag) =	ssettag $0x2  }
0xd1: {  	s0 =	rddreg [dreg:$0x0];
	s2 =	stileid.u32  }
0xd2: {  	s1 =	rddreg [dreg:$0x1];
	p0 =	sne.s32 s2, $0x0  }
0xd3: {  	s3 =	rddreg [dreg:$0x2];
	[bflag:$0x3] =	sbarrier.arrive $0xFFFF;
	s2 =	simm.s32 @!p0 $0x1C01  }
0xd4: {  	[timem:s3], [sflag:s2] =	dma.local @!p0 [hbm:s0], s1  }
0xd5: {  	s0 =	simm.s32 @!p0 $0x1  }
0xd6: {  	_ =	swait.ge @!p0 [sflag:s0], s1  }
0xd7: {  	s1 =	ssub.s32 @!p0 $0x0, s1;
	[sflag:s0] =	ssyncset.done @!p0 $0x0  }
0xd8: {  	[sflag:s0] =	ssyncadd.s32 @!p0 s1  }
0xd9: {  	[bflag:$0x3] =	sbarrier.arrive $0xFFFF  }
0xda: {  	_ =	shalt  }

</sc_bundles>
